<compile_context>
chip_gen: v7x
topology: tpu7x:2x2x1
jax: 0.10.2.dev20260603
libtpu: 0.0.44.dev20260713+nightly
codegen_flags: <defaults>
</compile_context>

<pallas_src>
import jax
import jax.numpy as jnp
from jax import lax
from jax.experimental import pallas as pl
from jax.experimental.pallas import tpu as pltpu
from jax.experimental.pallas import tpu_sc as plsc

W = 32
WSIZE = W * W
HEADS = 16
NC = 2
NS = 16
LANES = 16
NTILE = 2 * W - 1
WIDE = (NTILE + 1) * W
HALF_ROWS = WSIZE // 2


def _sc_body(bias_hbm, slab_hbm, wide_hbm, bias_v, slab_v, w_v, sem):
    wid = lax.axis_index("s") * NC + lax.axis_index("c")
    h = wid // 2
    half = wid % 2

    cpb = pltpu.make_async_copy(
        bias_hbm.at[pl.ds(half * HALF_ROWS * HEADS, HALF_ROWS * HEADS)],
        bias_v, sem,
    )
    cps = pltpu.make_async_copy(
        slab_hbm.at[pl.ds(half * HALF_ROWS, HALF_ROWS)], slab_v, sem,
    )
    cpb.start()
    cps.start()
    cpb.wait()
    cps.wait()

    hoff = h - half * HALF_ROWS * HEADS

    def build_row(rl, carry):
        a = (rl >> 5) + half * (W // 2)
        i2 = rl & (W - 1)
        lo = (W - 1 - a) * W
        hi = (W - 1 + a) * W
        for c in range(W // LANES):
            iv = slab_v[rl, pl.ds(c * LANES, LANES)]
            g = plsc.load_gather(bias_v, [iv * HEADS + hoff])
            w_v[i2, pl.ds(lo + c * LANES, LANES)] = g
            w_v[i2, pl.ds(hi + c * LANES, LANES)] = g
        return carry

    outs = []
    for k in range(4):
        lax.fori_loop(k * 128, (k + 1) * 128, build_row, 0)
        amin = half * (W // 2) + 4 * k
        lo_start = (W - 4 - amin) * W
        hi_start = (W - 1 + amin) * W
        for start in (lo_start, hi_start):
            cp = pltpu.make_async_copy(
                w_v.at[:, pl.ds(start, 4 * W)],
                wide_hbm.at[h, :, pl.ds(start, 4 * W)],
                sem,
            )
            cp.start()
            outs.append(cp)
    for cp in outs:
        cp.wait()


def _tc_body(w_ref, o_ref, s4_ref):
    x = w_ref[0]
    s4_ref[0] = x
    for c in range(1, 4):
        s4_ref[c] = jnp.concatenate([x[:, c * W:], x[:, :c * W]], axis=1)

    for i1 in range(W):
        d = (W - 1) - i1
        c = d % 4
        q = d // 4
        o_ref[0, pl.ds(i1 * W, W), :] = s4_ref[c, :, pl.ds(q * 128, WSIZE)]


def kernel(bias, indices):
    idx2d = indices.reshape(WSIZE, WSIZE).astype(jnp.int32)
    slab = idx2d[:, :W]
    bias_flat = bias.reshape(WSIZE * HEADS)

    sc_run = pl.kernel(
        _sc_body,
        out_type=jax.ShapeDtypeStruct((HEADS, W, WIDE), jnp.float32),
        mesh=plsc.VectorSubcoreMesh(
            core_axis_name="c", subcore_axis_name="s",
            num_cores=NC, num_subcores=NS,
        ),
        compiler_params=pltpu.CompilerParams(use_tc_tiling_on_sc=False,
                                             needs_layout_passes=False),
        scratch_types=[
            pltpu.VMEM((HALF_ROWS * HEADS,), jnp.float32),
            pltpu.VMEM((HALF_ROWS, W), jnp.int32),
            pltpu.VMEM((W, WIDE), jnp.float32),
            pltpu.SemaphoreType.DMA,
        ],
    )
    wide = sc_run(bias_flat, slab)

    expand = pl.pallas_call(
        _tc_body,
        grid=(HEADS,),
        in_specs=[pl.BlockSpec((1, W, WIDE), lambda h: (h, 0, 0))],
        out_specs=pl.BlockSpec((1, WSIZE, WSIZE), lambda h: (h, 0, 0)),
        out_shape=jax.ShapeDtypeStruct((HEADS, WSIZE, WSIZE), jnp.float32),
        scratch_shapes=[pltpu.VMEM((4, W, WIDE), jnp.float32)],
    )
    return expand(wide)

# --- scband reference (transcript-rebuilt; emitter-appended) ---
"""Pipeline reference for scband-relative-position-bias-89842125898095 (READ-ONLY COPY).

The authoritative reference and input builder live on the scoring server;
editing this copy changes nothing except your own understanding.
"""

import jax, jax.numpy as jnp
import numpy as np

WINDOW = (32, 32)
N_HEAD = 16


def _attention_bias_indices(window):
    """Faithful translation of RelativePositionBias._attention_bias_indices."""
    Nd = len(window)
    wsize = int(np.prod(window))
    # torch.meshgrid default is 'ij' indexing
    grids = jnp.meshgrid(*([jnp.arange(k) for k in window] * 2), indexing='ij')
    pos_rel = tuple(jnp.abs(i - j) for i, j in zip(grids[:Nd], grids[Nd:]))
    rel_to_bias = jnp.arange(wsize, dtype=jnp.int32).reshape(window)
    return rel_to_bias[pos_rel]  # shape (*window, *window) = (32,32,32,32)


def setup_inputs(seed: int = 0) -> dict:
    key = jax.random.key(seed)
    wsize = int(np.prod(WINDOW))
    indices = _attention_bias_indices(WINDOW)
    # learned parameter (zeros in the module; small randn for a nontrivial reference)
    bias = jax.random.normal(key, (wsize, N_HEAD), dtype=jnp.float32) * 0.02
    return {"bias": bias, "indices": indices}


def reference(bias, indices):
    """Faithful translation of RelativePositionBias.forward.

    bias: float32 [wsize, n_head] learned parameter
    indices: int [*window, *window] relative-position -> bias-row index buffer
    returns: float32 [n_head, wsize, wsize]
    """
    wsize = bias.shape[0]
    gathered = jnp.take(bias, indices, axis=0)  # (*window, *window, n_head)
    out = gathered.reshape(wsize, wsize, -1)    # (wsize, wsize, n_head)
    return jnp.transpose(out, (2, 0, 1))        # (n_head, wsize, wsize)

if __name__ == "__main__":
    import jax
    _d = setup_inputs()
    print(jax.jit(kernel)(*tuple(_d.values())))

</pallas_src>

<mosaic_0001>
#map = affine_map<(d0, d1) -> (0)>
#map1 = affine_map<(d0, d1) -> (0, 0)>
#map2 = affine_map<(d0, d1) -> (0, 0, 0)>
module attributes {stable_mosaic.version = 14 : i64} {
  func.func @_sc_body(%arg0: i32, %arg1: i32, %arg2: memref<16384xf32, #tpu.memory_space<hbm>>, %arg3: memref<1024x32xi32, #tpu.memory_space<hbm>>, %arg4: memref<16x32x2048xf32, #tpu.memory_space<hbm>>, %arg5: memref<8192xf32, #tpu.memory_space<vmem>>, %arg6: memref<512x32xi32, #tpu.memory_space<vmem>>, %arg7: memref<32x2048xf32, #tpu.memory_space<vmem>>, %arg8: memref<!tpu.dma_semaphore, #tpu.memory_space<semaphore_mem>>) attributes {dimension_semantics = [#tpu.dimension_semantics<core_parallel>, #tpu.dimension_semantics<subcore_parallel>], iteration_bounds = array<i64: 2, 16>, scalar_prefetch = 0 : i64, scratch_operands = 4 : i64, tpu.core_type = #tpu.core_type<sc_vector_subcore>, window_params = [{transform_indices = #map}, {transform_indices = #map1}, {transform_indices = #map2}]} {
    %mul3A = arith.constant 2 : i32
    %mul3A_0 = arith.muli %arg1, %mul3A : i32
    %add3A = arith.addi %mul3A_0, %arg0 : i32
    %jit3A = arith.constant 2 : i32
    %div3A = arith.divsi %add3A, %jit3A : i32
    %sign3A = arith.constant 0 : i32
    %sign3A_1 = arith.cmpi sgt, %add3A, %sign3A : i32
    %sign3A_2 = arith.extui %sign3A_1 : i1 to i32
    %sign3A_3 = arith.constant 0 : i32
    %sign3A_4 = arith.cmpi slt, %add3A, %sign3A_3 : i32
    %sign3A_5 = arith.extui %sign3A_4 : i1 to i32
    %sign3A_6 = arith.subi %sign3A_2, %sign3A_5 : i32
    %sign3A_7 = arith.constant 0 : i32
    %sign3A_8 = arith.cmpi sgt, %jit3A, %sign3A_7 : i32
    %sign3A_9 = arith.extui %sign3A_8 : i1 to i32
    %sign3A_10 = arith.constant 0 : i32
    %sign3A_11 = arith.cmpi slt, %jit3A, %sign3A_10 : i32
    %sign3A_12 = arith.extui %sign3A_11 : i1 to i32
    %sign3A_13 = arith.subi %sign3A_9, %sign3A_12 : i32
    %ne3A = arith.cmpi ne, %sign3A_6, %sign3A_13 : i32
    %rem3A = arith.remsi %add3A, %jit3A : i32
    %ne3A_14 = arith.constant 0 : i32
    %ne3A_15 = arith.cmpi ne, %rem3A, %ne3A_14 : i32
    %and3A = arith.andi %ne3A, %ne3A_15 : i1
    %sub3A = arith.constant 1 : i32
    %sub3A_16 = arith.subi %div3A, %sub3A : i32
    %select_n3A = arith.select %and3A, %sub3A_16, %div3A : i32
    %jit3A_17 = arith.constant 2 : i32
    %eq3A = arith.constant 0 : i32
    %eq3A_18 = arith.cmpi eq, %jit3A_17, %eq3A : i32
    %jit3A_19 = arith.constant 1 : i32
    %select_n3A_20 = arith.select %eq3A_18, %jit3A_19, %jit3A_17 : i32
    %rem3A_21 = arith.remsi %add3A, %select_n3A_20 : i32
    %ne3A_22 = arith.constant 0 : i32
    %ne3A_23 = arith.cmpi ne, %rem3A_21, %ne3A_22 : i32
    %lt3A = arith.constant 0 : i32
    %lt3A_24 = arith.cmpi slt, %rem3A_21, %lt3A : i32
    %lt3A_25 = arith.constant 0 : i32
    %lt3A_26 = arith.cmpi slt, %select_n3A_20, %lt3A_25 : i32
    %ne3A_27 = arith.xori %lt3A_24, %lt3A_26 : i1
    %and3A_28 = arith.andi %ne3A_27, %ne3A_23 : i1
    %add3A_29 = arith.addi %rem3A_21, %select_n3A_20 : i32
    %select_n3A_30 = arith.select %and3A_28, %add3A_29, %rem3A_21 : i32
    %mul3A_31 = arith.constant 512 : i32
    %mul3A_32 = arith.muli %select_n3A_30, %mul3A_31 : i32
    %mul3A_33 = arith.constant 16 : i32
    %mul3A_34 = arith.muli %mul3A_32, %mul3A_33 : i32
    %mul3A_35 = arith.constant 512 : i32
    %mul3A_36 = arith.muli %select_n3A_30, %mul3A_35 : i32
    %dma_start3A = tpu.memref_slice %arg2[%mul3A_34] : memref<16384xf32, #tpu.memory_space<hbm>> -> memref<8192xf32, #tpu.memory_space<hbm>>
    %dma_start3A_37 = tpu.memref_slice %arg2[%mul3A_34] : memref<16384xf32, #tpu.memory_space<hbm>> -> memref<8192xf32, #tpu.memory_space<hbm>>
    tpu.enqueue_dma source(%dma_start3A_37 : memref<8192xf32, #tpu.memory_space<hbm>>) target(%arg5 : memref<8192xf32, #tpu.memory_space<vmem>>) target_semaphore(%arg8 : memref<!tpu.dma_semaphore, #tpu.memory_space<semaphore_mem>>)
    %dma_start3A_38 = arith.constant 0 : i32
    %dma_start3A_39 = tpu.memref_slice %arg3[%mul3A_36, %dma_start3A_38] : memref<1024x32xi32, #tpu.memory_space<hbm>> -> memref<512x32xi32, #tpu.memory_space<hbm>>
    %dma_start3A_40 = arith.constant 0 : i32
    %dma_start3A_41 = tpu.memref_slice %arg3[%mul3A_36, %dma_start3A_40] : memref<1024x32xi32, #tpu.memory_space<hbm>> -> memref<512x32xi32, #tpu.memory_space<hbm>>
    tpu.enqueue_dma source(%dma_start3A_41 : memref<512x32xi32, #tpu.memory_space<hbm>>) target(%arg6 : memref<512x32xi32, #tpu.memory_space<vmem>>) target_semaphore(%arg8 : memref<!tpu.dma_semaphore, #tpu.memory_space<semaphore_mem>>)
    %dma_wait3A = tpu.memref_slice %arg2[%mul3A_34] : memref<16384xf32, #tpu.memory_space<hbm>> -> memref<8192xf32, #tpu.memory_space<hbm>>
    %dma_wait3A_42 = tpu.memref_slice %arg2[%mul3A_34] : memref<16384xf32, #tpu.memory_space<hbm>> -> memref<8192xf32, #tpu.memory_space<hbm>>
    tpu.wait_dma2 semaphore(%arg8 : memref<!tpu.dma_semaphore, #tpu.memory_space<semaphore_mem>>) src(%dma_wait3A_42 : memref<8192xf32, #tpu.memory_space<hbm>>) dst(%arg5 : memref<8192xf32, #tpu.memory_space<vmem>>)
    %dma_wait3A_43 = arith.constant 0 : i32
    %dma_wait3A_44 = tpu.memref_slice %arg3[%mul3A_36, %dma_wait3A_43] : memref<1024x32xi32, #tpu.memory_space<hbm>> -> memref<512x32xi32, #tpu.memory_space<hbm>>
    %dma_wait3A_45 = arith.constant 0 : i32
    %dma_wait3A_46 = tpu.memref_slice %arg3[%mul3A_36, %dma_wait3A_45] : memref<1024x32xi32, #tpu.memory_space<hbm>> -> memref<512x32xi32, #tpu.memory_space<hbm>>
    tpu.wait_dma2 semaphore(%arg8 : memref<!tpu.dma_semaphore, #tpu.memory_space<semaphore_mem>>) src(%dma_wait3A_46 : memref<512x32xi32, #tpu.memory_space<hbm>>) dst(%arg6 : memref<512x32xi32, #tpu.memory_space<vmem>>)
    %mul3A_47 = arith.constant 512 : i32
    %mul3A_48 = arith.muli %select_n3A_30, %mul3A_47 : i32
    %mul3A_49 = arith.constant 16 : i32
    %mul3A_50 = arith.muli %mul3A_48, %mul3A_49 : i32
    %sub3A_51 = arith.subi %select_n3A, %mul3A_50 : i32
    %scan3A = arith.constant 0 : i32
    %scan3A_52 = arith.constant 0 : i32
    %scan3A_53 = arith.constant 128 : i32
    %scan3A_54 = arith.addi %scan3A_52, %scan3A_53 : i32
    %scan3A_55 = arith.constant 1 : i32
    scf.for %scan3A_283 = %scan3A_52 to %scan3A_54 step %scan3A_55  : i32 {
      %shift_right_arithmetic3A = arith.constant 5 : i32
      %shift_right_arithmetic3A_284 = arith.shrsi %scan3A_283, %shift_right_arithmetic3A : i32
      %mul3A_285 = arith.constant 16 : i32
      %mul3A_286 = arith.muli %select_n3A_30, %mul3A_285 : i32
      %add3A_287 = arith.addi %shift_right_arithmetic3A_284, %mul3A_286 : i32
      %and3A_288 = arith.constant 31 : i32
      %and3A_289 = arith.andi %scan3A_283, %and3A_288 : i32
      %sub3A_290 = arith.constant 31 : i32
      %sub3A_291 = arith.subi %sub3A_290, %add3A_287 : i32
      %mul3A_292 = arith.constant 32 : i32
      %mul3A_293 = arith.muli %sub3A_291, %mul3A_292 : i32
      %add3A_294 = arith.constant 31 : i32
      %add3A_295 = arith.addi %add3A_294, %add3A_287 : i32
      %mul3A_296 = arith.constant 32 : i32
      %mul3A_297 = arith.muli %add3A_295, %mul3A_296 : i32
      %get3A = arith.index_cast %scan3A_283 : i32 to index
      %get3A_298 = arith.constant 0 : index
      %get3A_299 = tpu.vector_load %arg6[%get3A, %get3A_298] {strides = array<i32>} : memref<512x32xi32, #tpu.memory_space<vmem>>, vector<16xi32>,
      %mul3A_300 = arith.constant 16 : i32
      %mul3A_301 = vector.broadcast %mul3A_300 : i32 to vector<16xi32>
      %mul3A_302 = arith.muli %get3A_299, %mul3A_301 : vector<16xi32>
      %add3A_303 = vector.broadcast %sub3A_51 : i32 to vector<16xi32>
      %add3A_304 = arith.addi %mul3A_302, %add3A_303 : vector<16xi32>
      %gather3A = tpu.vector_load_idx %arg5[%add3A_304] : memref<8192xf32, #tpu.memory_space<vmem>>[vector<16xi32>], vector<16xf32>,
      %add3A_305 = arith.constant 0 : i32
      %add3A_306 = arith.addi %mul3A_293, %add3A_305 : i32
      %swap3A = arith.index_cast %and3A_289 : i32 to index
      %swap3A_307 = arith.index_cast %add3A_306 : i32 to index
      %swap3A_308 = tpu.vector_load %arg7[%swap3A, %swap3A_307] {strides = array<i32>} : memref<32x2048xf32, #tpu.memory_space<vmem>>, vector<16xf32>,
      tpu.vector_store %arg7[%swap3A, %swap3A_307], %gather3A {strides = array<i32>} : memref<32x2048xf32, #tpu.memory_space<vmem>>, vector<16xf32>,
      %add3A_309 = arith.constant 0 : i32
      %add3A_310 = arith.addi %mul3A_297, %add3A_309 : i32
      %swap3A_311 = arith.index_cast %and3A_289 : i32 to index
      %swap3A_312 = arith.index_cast %add3A_310 : i32 to index
      %swap3A_313 = tpu.vector_load %arg7[%swap3A_311, %swap3A_312] {strides = array<i32>} : memref<32x2048xf32, #tpu.memory_space<vmem>>, vector<16xf32>,
      tpu.vector_store %arg7[%swap3A_311, %swap3A_312], %gather3A {strides = array<i32>} : memref<32x2048xf32, #tpu.memory_space<vmem>>, vector<16xf32>,
      %get3A_314 = arith.index_cast %scan3A_283 : i32 to index
      %get3A_315 = arith.constant 16 : index
      %get3A_316 = tpu.vector_load %arg6[%get3A_314, %get3A_315] {strides = array<i32>} : memref<512x32xi32, #tpu.memory_space<vmem>>, vector<16xi32>,
      %mul3A_317 = arith.constant 16 : i32
      %mul3A_318 = vector.broadcast %mul3A_317 : i32 to vector<16xi32>
      %mul3A_319 = arith.muli %get3A_316, %mul3A_318 : vector<16xi32>
      %add3A_320 = vector.broadcast %sub3A_51 : i32 to vector<16xi32>
      %add3A_321 = arith.addi %mul3A_319, %add3A_320 : vector<16xi32>
      %gather3A_322 = tpu.vector_load_idx %arg5[%add3A_321] : memref<8192xf32, #tpu.memory_space<vmem>>[vector<16xi32>], vector<16xf32>,
      %add3A_323 = arith.constant 16 : i32
      %add3A_324 = arith.addi %mul3A_293, %add3A_323 : i32
      %swap3A_325 = arith.index_cast %and3A_289 : i32 to index
      %swap3A_326 = arith.index_cast %add3A_324 : i32 to index
      %swap3A_327 = tpu.vector_load %arg7[%swap3A_325, %swap3A_326] {strides = array<i32>} : memref<32x2048xf32, #tpu.memory_space<vmem>>, vector<16xf32>,
      tpu.vector_store %arg7[%swap3A_325, %swap3A_326], %gather3A_322 {strides = array<i32>} : memref<32x2048xf32, #tpu.memory_space<vmem>>, vector<16xf32>,
      %add3A_328 = arith.constant 16 : i32
      %add3A_329 = arith.addi %mul3A_297, %add3A_328 : i32
      %swap3A_330 = arith.index_cast %and3A_289 : i32 to index
      %swap3A_331 = arith.index_cast %add3A_329 : i32 to index
      %swap3A_332 = tpu.vector_load %arg7[%swap3A_330, %swap3A_331] {strides = array<i32>} : memref<32x2048xf32, #tpu.memory_space<vmem>>, vector<16xf32>,
      tpu.vector_store %arg7[%swap3A_330, %swap3A_331], %gather3A_322 {strides = array<i32>} : memref<32x2048xf32, #tpu.memory_space<vmem>>, vector<16xf32>,
    }
    %scan3A_56 = arith.constant 128 : i32
    %mul3A_57 = arith.constant 16 : i32
    %mul3A_58 = arith.muli %select_n3A_30, %mul3A_57 : i32
    %add3A_59 = arith.constant 0 : i32
    %add3A_60 = arith.addi %mul3A_58, %add3A_59 : i32
    %sub3A_61 = arith.constant 28 : i32
    %sub3A_62 = arith.subi %sub3A_61, %add3A_60 : i32
    %mul3A_63 = arith.constant 32 : i32
    %mul3A_64 = arith.muli %sub3A_62, %mul3A_63 : i32
    %add3A_65 = arith.constant 31 : i32
    %add3A_66 = arith.addi %add3A_65, %add3A_60 : i32
    %mul3A_67 = arith.constant 32 : i32
    %mul3A_68 = arith.muli %add3A_66, %mul3A_67 : i32
    %dma_start3A_69 = arith.constant 0 : i32
    %dma_start3A_70 = tpu.memref_slice %arg7[%dma_start3A_69, %mul3A_64] : memref<32x2048xf32, #tpu.memory_space<vmem>> -> memref<32x128xf32, #tpu.memory_space<vmem>>
    %dma_start3A_71 = arith.constant 0 : i32
    %dma_start3A_72 = tpu.memref_slice %arg4[%select_n3A, %dma_start3A_71, %mul3A_64] : memref<16x32x2048xf32, #tpu.memory_space<hbm>> -> memref<1x32x128xf32, #tpu.memory_space<hbm>>
    %dma_start3A_73 = tpu.memref_squeeze %dma_start3A_72 : memref<1x32x128xf32, #tpu.memory_space<hbm>> -> memref<32x128xf32, #tpu.memory_space<hbm>>
    %dma_start3A_74 = arith.constant 0 : i32
    %dma_start3A_75 = tpu.memref_slice %arg4[%select_n3A, %dma_start3A_74, %mul3A_64] : memref<16x32x2048xf32, #tpu.memory_space<hbm>> -> memref<1x32x128xf32, #tpu.memory_space<hbm>>
    %dma_start3A_76 = tpu.memref_squeeze %dma_start3A_75 : memref<1x32x128xf32, #tpu.memory_space<hbm>> -> memref<32x128xf32, #tpu.memory_space<hbm>>
    %dma_start3A_77 = arith.constant 0 : i32
    %dma_start3A_78 = tpu.memref_slice %arg7[%dma_start3A_77, %mul3A_64] : memref<32x2048xf32, #tpu.memory_space<vmem>> -> memref<32x128xf32, #tpu.memory_space<vmem>>
    tpu.enqueue_dma source(%dma_start3A_78 : memref<32x128xf32, #tpu.memory_space<vmem>>) target(%dma_start3A_76 : memref<32x128xf32, #tpu.memory_space<hbm>>) target_semaphore(%arg8 : memref<!tpu.dma_semaphore, #tpu.memory_space<semaphore_mem>>)
    %dma_start3A_79 = arith.constant 0 : i32
    %dma_start3A_80 = tpu.memref_slice %arg7[%dma_start3A_79, %mul3A_68] : memref<32x2048xf32, #tpu.memory_space<vmem>> -> memref<32x128xf32, #tpu.memory_space<vmem>>
    %dma_start3A_81 = arith.constant 0 : i32
    %dma_start3A_82 = tpu.memref_slice %arg4[%select_n3A, %dma_start3A_81, %mul3A_68] : memref<16x32x2048xf32, #tpu.memory_space<hbm>> -> memref<1x32x128xf32, #tpu.memory_space<hbm>>
    %dma_start3A_83 = tpu.memref_squeeze %dma_start3A_82 : memref<1x32x128xf32, #tpu.memory_space<hbm>> -> memref<32x128xf32, #tpu.memory_space<hbm>>
    %dma_start3A_84 = arith.constant 0 : i32
    %dma_start3A_85 = tpu.memref_slice %arg4[%select_n3A, %dma_start3A_84, %mul3A_68] : memref<16x32x2048xf32, #tpu.memory_space<hbm>> -> memref<1x32x128xf32, #tpu.memory_space<hbm>>
    %dma_start3A_86 = tpu.memref_squeeze %dma_start3A_85 : memref<1x32x128xf32, #tpu.memory_space<hbm>> -> memref<32x128xf32, #tpu.memory_space<hbm>>
    %dma_start3A_87 = arith.constant 0 : i32
    %dma_start3A_88 = tpu.memref_slice %arg7[%dma_start3A_87, %mul3A_68] : memref<32x2048xf32, #tpu.memory_space<vmem>> -> memref<32x128xf32, #tpu.memory_space<vmem>>
    tpu.enqueue_dma source(%dma_start3A_88 : memref<32x128xf32, #tpu.memory_space<vmem>>) target(%dma_start3A_86 : memref<32x128xf32, #tpu.memory_space<hbm>>) target_semaphore(%arg8 : memref<!tpu.dma_semaphore, #tpu.memory_space<semaphore_mem>>)
    %scan3A_89 = arith.constant 0 : i32
    %scan3A_90 = arith.constant 128 : i32
    %scan3A_91 = arith.constant 128 : i32
    %scan3A_92 = arith.addi %scan3A_90, %scan3A_91 : i32
    %scan3A_93 = arith.constant 1 : i32
    scf.for %scan3A_283 = %scan3A_90 to %scan3A_92 step %scan3A_93  : i32 {
      %shift_right_arithmetic3A = arith.constant 5 : i32
      %shift_right_arithmetic3A_284 = arith.shrsi %scan3A_283, %shift_right_arithmetic3A : i32
      %mul3A_285 = arith.constant 16 : i32
      %mul3A_286 = arith.muli %select_n3A_30, %mul3A_285 : i32
      %add3A_287 = arith.addi %shift_right_arithmetic3A_284, %mul3A_286 : i32
      %and3A_288 = arith.constant 31 : i32
      %and3A_289 = arith.andi %scan3A_283, %and3A_288 : i32
      %sub3A_290 = arith.constant 31 : i32
      %sub3A_291 = arith.subi %sub3A_290, %add3A_287 : i32
      %mul3A_292 = arith.constant 32 : i32
      %mul3A_293 = arith.muli %sub3A_291, %mul3A_292 : i32
      %add3A_294 = arith.constant 31 : i32
      %add3A_295 = arith.addi %add3A_294, %add3A_287 : i32
      %mul3A_296 = arith.constant 32 : i32
      %mul3A_297 = arith.muli %add3A_295, %mul3A_296 : i32
      %get3A = arith.index_cast %scan3A_283 : i32 to index
      %get3A_298 = arith.constant 0 : index
      %get3A_299 = tpu.vector_load %arg6[%get3A, %get3A_298] {strides = array<i32>} : memref<512x32xi32, #tpu.memory_space<vmem>>, vector<16xi32>,
      %mul3A_300 = arith.constant 16 : i32
      %mul3A_301 = vector.broadcast %mul3A_300 : i32 to vector<16xi32>
      %mul3A_302 = arith.muli %get3A_299, %mul3A_301 : vector<16xi32>
      %add3A_303 = vector.broadcast %sub3A_51 : i32 to vector<16xi32>
      %add3A_304 = arith.addi %mul3A_302, %add3A_303 : vector<16xi32>
      %gather3A = tpu.vector_load_idx %arg5[%add3A_304] : memref<8192xf32, #tpu.memory_space<vmem>>[vector<16xi32>], vector<16xf32>,
      %add3A_305 = arith.constant 0 : i32
      %add3A_306 = arith.addi %mul3A_293, %add3A_305 : i32
      %swap3A = arith.index_cast %and3A_289 : i32 to index
      %swap3A_307 = arith.index_cast %add3A_306 : i32 to index
      %swap3A_308 = tpu.vector_load %arg7[%swap3A, %swap3A_307] {strides = array<i32>} : memref<32x2048xf32, #tpu.memory_space<vmem>>, vector<16xf32>,
      tpu.vector_store %arg7[%swap3A, %swap3A_307], %gather3A {strides = array<i32>} : memref<32x2048xf32, #tpu.memory_space<vmem>>, vector<16xf32>,
      %add3A_309 = arith.constant 0 : i32
      %add3A_310 = arith.addi %mul3A_297, %add3A_309 : i32
      %swap3A_311 = arith.index_cast %and3A_289 : i32 to index
      %swap3A_312 = arith.index_cast %add3A_310 : i32 to index
      %swap3A_313 = tpu.vector_load %arg7[%swap3A_311, %swap3A_312] {strides = array<i32>} : memref<32x2048xf32, #tpu.memory_space<vmem>>, vector<16xf32>,
      tpu.vector_store %arg7[%swap3A_311, %swap3A_312], %gather3A {strides = array<i32>} : memref<32x2048xf32, #tpu.memory_space<vmem>>, vector<16xf32>,
      %get3A_314 = arith.index_cast %scan3A_283 : i32 to index
      %get3A_315 = arith.constant 16 : index
      %get3A_316 = tpu.vector_load %arg6[%get3A_314, %get3A_315] {strides = array<i32>} : memref<512x32xi32, #tpu.memory_space<vmem>>, vector<16xi32>,
      %mul3A_317 = arith.constant 16 : i32
      %mul3A_318 = vector.broadcast %mul3A_317 : i32 to vector<16xi32>
      %mul3A_319 = arith.muli %get3A_316, %mul3A_318 : vector<16xi32>
      %add3A_320 = vector.broadcast %sub3A_51 : i32 to vector<16xi32>
      %add3A_321 = arith.addi %mul3A_319, %add3A_320 : vector<16xi32>
      %gather3A_322 = tpu.vector_load_idx %arg5[%add3A_321] : memref<8192xf32, #tpu.memory_space<vmem>>[vector<16xi32>], vector<16xf32>,
      %add3A_323 = arith.constant 16 : i32
      %add3A_324 = arith.addi %mul3A_293, %add3A_323 : i32
      %swap3A_325 = arith.index_cast %and3A_289 : i32 to index
      %swap3A_326 = arith.index_cast %add3A_324 : i32 to index
      %swap3A_327 = tpu.vector_load %arg7[%swap3A_325, %swap3A_326] {strides = array<i32>} : memref<32x2048xf32, #tpu.memory_space<vmem>>, vector<16xf32>,
      tpu.vector_store %arg7[%swap3A_325, %swap3A_326], %gather3A_322 {strides = array<i32>} : memref<32x2048xf32, #tpu.memory_space<vmem>>, vector<16xf32>,
      %add3A_328 = arith.constant 16 : i32
      %add3A_329 = arith.addi %mul3A_297, %add3A_328 : i32
      %swap3A_330 = arith.index_cast %and3A_289 : i32 to index
      %swap3A_331 = arith.index_cast %add3A_329 : i32 to index
      %swap3A_332 = tpu.vector_load %arg7[%swap3A_330, %swap3A_331] {strides = array<i32>} : memref<32x2048xf32, #tpu.memory_space<vmem>>, vector<16xf32>,
      tpu.vector_store %arg7[%swap3A_330, %swap3A_331], %gather3A_322 {strides = array<i32>} : memref<32x2048xf32, #tpu.memory_space<vmem>>, vector<16xf32>,
    }
    %scan3A_94 = arith.constant 128 : i32
    %mul3A_95 = arith.constant 16 : i32
    %mul3A_96 = arith.muli %select_n3A_30, %mul3A_95 : i32
    %add3A_97 = arith.constant 4 : i32
    %add3A_98 = arith.addi %mul3A_96, %add3A_97 : i32
    %sub3A_99 = arith.constant 28 : i32
    %sub3A_100 = arith.subi %sub3A_99, %add3A_98 : i32
    %mul3A_101 = arith.constant 32 : i32
    %mul3A_102 = arith.muli %sub3A_100, %mul3A_101 : i32
    %add3A_103 = arith.constant 31 : i32
    %add3A_104 = arith.addi %add3A_103, %add3A_98 : i32
    %mul3A_105 = arith.constant 32 : i32
    %mul3A_106 = arith.muli %add3A_104, %mul3A_105 : i32
    %dma_start3A_107 = arith.constant 0 : i32
    %dma_start3A_108 = tpu.memref_slice %arg7[%dma_start3A_107, %mul3A_102] : memref<32x2048xf32, #tpu.memory_space<vmem>> -> memref<32x128xf32, #tpu.memory_space<vmem>>
    %dma_start3A_109 = arith.constant 0 : i32
    %dma_start3A_110 = tpu.memref_slice %arg4[%select_n3A, %dma_start3A_109, %mul3A_102] : memref<16x32x2048xf32, #tpu.memory_space<hbm>> -> memref<1x32x128xf32, #tpu.memory_space<hbm>>
    %dma_start3A_111 = tpu.memref_squeeze %dma_start3A_110 : memref<1x32x128xf32, #tpu.memory_space<hbm>> -> memref<32x128xf32, #tpu.memory_space<hbm>>
    %dma_start3A_112 = arith.constant 0 : i32
    %dma_start3A_113 = tpu.memref_slice %arg4[%select_n3A, %dma_start3A_112, %mul3A_102] : memref<16x32x2048xf32, #tpu.memory_space<hbm>> -> memref<1x32x128xf32, #tpu.memory_space<hbm>>
    %dma_start3A_114 = tpu.memref_squeeze %dma_start3A_113 : memref<1x32x128xf32, #tpu.memory_space<hbm>> -> memref<32x128xf32, #tpu.memory_space<hbm>>
    %dma_start3A_115 = arith.constant 0 : i32
    %dma_start3A_116 = tpu.memref_slice %arg7[%dma_start3A_115, %mul3A_102] : memref<32x2048xf32, #tpu.memory_space<vmem>> -> memref<32x128xf32, #tpu.memory_space<vmem>>
    tpu.enqueue_dma source(%dma_start3A_116 : memref<32x128xf32, #tpu.memory_space<vmem>>) target(%dma_start3A_114 : memref<32x128xf32, #tpu.memory_space<hbm>>) target_semaphore(%arg8 : memref<!tpu.dma_semaphore, #tpu.memory_space<semaphore_mem>>)
    %dma_start3A_117 = arith.constant 0 : i32
    %dma_start3A_118 = tpu.memref_slice %arg7[%dma_start3A_117, %mul3A_106] : memref<32x2048xf32, #tpu.memory_space<vmem>> -> memref<32x128xf32, #tpu.memory_space<vmem>>
    %dma_start3A_119 = arith.constant 0 : i32
    %dma_start3A_120 = tpu.memref_slice %arg4[%select_n3A, %dma_start3A_119, %mul3A_106] : memref<16x32x2048xf32, #tpu.memory_space<hbm>> -> memref<1x32x128xf32, #tpu.memory_space<hbm>>
    %dma_start3A_121 = tpu.memref_squeeze %dma_start3A_120 : memref<1x32x128xf32, #tpu.memory_space<hbm>> -> memref<32x128xf32, #tpu.memory_space<hbm>>
    %dma_start3A_122 = arith.constant 0 : i32
    %dma_start3A_123 = tpu.memref_slice %arg4[%select_n3A, %dma_start3A_122, %mul3A_106] : memref<16x32x2048xf32, #tpu.memory_space<hbm>> -> memref<1x32x128xf32, #tpu.memory_space<hbm>>
    %dma_start3A_124 = tpu.memref_squeeze %dma_start3A_123 : memref<1x32x128xf32, #tpu.memory_space<hbm>> -> memref<32x128xf32, #tpu.memory_space<hbm>>
    %dma_start3A_125 = arith.constant 0 : i32
    %dma_start3A_126 = tpu.memref_slice %arg7[%dma_start3A_125, %mul3A_106] : memref<32x2048xf32, #tpu.memory_space<vmem>> -> memref<32x128xf32, #tpu.memory_space<vmem>>
    tpu.enqueue_dma source(%dma_start3A_126 : memref<32x128xf32, #tpu.memory_space<vmem>>) target(%dma_start3A_124 : memref<32x128xf32, #tpu.memory_space<hbm>>) target_semaphore(%arg8 : memref<!tpu.dma_semaphore, #tpu.memory_space<semaphore_mem>>)
    %scan3A_127 = arith.constant 0 : i32
    %scan3A_128 = arith.constant 256 : i32
    %scan3A_129 = arith.constant 128 : i32
    %scan3A_130 = arith.addi %scan3A_128, %scan3A_129 : i32
    %scan3A_131 = arith.constant 1 : i32
    scf.for %scan3A_283 = %scan3A_128 to %scan3A_130 step %scan3A_131  : i32 {
      %shift_right_arithmetic3A = arith.constant 5 : i32
      %shift_right_arithmetic3A_284 = arith.shrsi %scan3A_283, %shift_right_arithmetic3A : i32
      %mul3A_285 = arith.constant 16 : i32
      %mul3A_286 = arith.muli %select_n3A_30, %mul3A_285 : i32
      %add3A_287 = arith.addi %shift_right_arithmetic3A_284, %mul3A_286 : i32
      %and3A_288 = arith.constant 31 : i32
      %and3A_289 = arith.andi %scan3A_283, %and3A_288 : i32
      %sub3A_290 = arith.constant 31 : i32
      %sub3A_291 = arith.subi %sub3A_290, %add3A_287 : i32
      %mul3A_292 = arith.constant 32 : i32
      %mul3A_293 = arith.muli %sub3A_291, %mul3A_292 : i32
      %add3A_294 = arith.constant 31 : i32
      %add3A_295 = arith.addi %add3A_294, %add3A_287 : i32
      %mul3A_296 = arith.constant 32 : i32
      %mul3A_297 = arith.muli %add3A_295, %mul3A_296 : i32
      %get3A = arith.index_cast %scan3A_283 : i32 to index
      %get3A_298 = arith.constant 0 : index
      %get3A_299 = tpu.vector_load %arg6[%get3A, %get3A_298] {strides = array<i32>} : memref<512x32xi32, #tpu.memory_space<vmem>>, vector<16xi32>,
      %mul3A_300 = arith.constant 16 : i32
      %mul3A_301 = vector.broadcast %mul3A_300 : i32 to vector<16xi32>
      %mul3A_302 = arith.muli %get3A_299, %mul3A_301 : vector<16xi32>
      %add3A_303 = vector.broadcast %sub3A_51 : i32 to vector<16xi32>
      %add3A_304 = arith.addi %mul3A_302, %add3A_303 : vector<16xi32>
      %gather3A = tpu.vector_load_idx %arg5[%add3A_304] : memref<8192xf32, #tpu.memory_space<vmem>>[vector<16xi32>], vector<16xf32>,
      %add3A_305 = arith.constant 0 : i32
      %add3A_306 = arith.addi %mul3A_293, %add3A_305 : i32
      %swap3A = arith.index_cast %and3A_289 : i32 to index
      %swap3A_307 = arith.index_cast %add3A_306 : i32 to index
      %swap3A_308 = tpu.vector_load %arg7[%swap3A, %swap3A_307] {strides = array<i32>} : memref<32x2048xf32, #tpu.memory_space<vmem>>, vector<16xf32>,
      tpu.vector_store %arg7[%swap3A, %swap3A_307], %gather3A {strides = array<i32>} : memref<32x2048xf32, #tpu.memory_space<vmem>>, vector<16xf32>,
      %add3A_309 = arith.constant 0 : i32
      %add3A_310 = arith.addi %mul3A_297, %add3A_309 : i32
      %swap3A_311 = arith.index_cast %and3A_289 : i32 to index
      %swap3A_312 = arith.index_cast %add3A_310 : i32 to index
      %swap3A_313 = tpu.vector_load %arg7[%swap3A_311, %swap3A_312] {strides = array<i32>} : memref<32x2048xf32, #tpu.memory_space<vmem>>, vector<16xf32>,
      tpu.vector_store %arg7[%swap3A_311, %swap3A_312], %gather3A {strides = array<i32>} : memref<32x2048xf32, #tpu.memory_space<vmem>>, vector<16xf32>,
      %get3A_314 = arith.index_cast %scan3A_283 : i32 to index
      %get3A_315 = arith.constant 16 : index
      %get3A_316 = tpu.vector_load %arg6[%get3A_314, %get3A_315] {strides = array<i32>} : memref<512x32xi32, #tpu.memory_space<vmem>>, vector<16xi32>,
      %mul3A_317 = arith.constant 16 : i32
      %mul3A_318 = vector.broadcast %mul3A_317 : i32 to vector<16xi32>
      %mul3A_319 = arith.muli %get3A_316, %mul3A_318 : vector<16xi32>
      %add3A_320 = vector.broadcast %sub3A_51 : i32 to vector<16xi32>
      %add3A_321 = arith.addi %mul3A_319, %add3A_320 : vector<16xi32>
      %gather3A_322 = tpu.vector_load_idx %arg5[%add3A_321] : memref<8192xf32, #tpu.memory_space<vmem>>[vector<16xi32>], vector<16xf32>,
      %add3A_323 = arith.constant 16 : i32
      %add3A_324 = arith.addi %mul3A_293, %add3A_323 : i32
      %swap3A_325 = arith.index_cast %and3A_289 : i32 to index
      %swap3A_326 = arith.index_cast %add3A_324 : i32 to index
      %swap3A_327 = tpu.vector_load %arg7[%swap3A_325, %swap3A_326] {strides = array<i32>} : memref<32x2048xf32, #tpu.memory_space<vmem>>, vector<16xf32>,
      tpu.vector_store %arg7[%swap3A_325, %swap3A_326], %gather3A_322 {strides = array<i32>} : memref<32x2048xf32, #tpu.memory_space<vmem>>, vector<16xf32>,
      %add3A_328 = arith.constant 16 : i32
      %add3A_329 = arith.addi %mul3A_297, %add3A_328 : i32
      %swap3A_330 = arith.index_cast %and3A_289 : i32 to index
      %swap3A_331 = arith.index_cast %add3A_329 : i32 to index
      %swap3A_332 = tpu.vector_load %arg7[%swap3A_330, %swap3A_331] {strides = array<i32>} : memref<32x2048xf32, #tpu.memory_space<vmem>>, vector<16xf32>,
      tpu.vector_store %arg7[%swap3A_330, %swap3A_331], %gather3A_322 {strides = array<i32>} : memref<32x2048xf32, #tpu.memory_space<vmem>>, vector<16xf32>,
    }
    %scan3A_132 = arith.constant 128 : i32
    %mul3A_133 = arith.constant 16 : i32
    %mul3A_134 = arith.muli %select_n3A_30, %mul3A_133 : i32
    %add3A_135 = arith.constant 8 : i32
    %add3A_136 = arith.addi %mul3A_134, %add3A_135 : i32
    %sub3A_137 = arith.constant 28 : i32
    %sub3A_138 = arith.subi %sub3A_137, %add3A_136 : i32
    %mul3A_139 = arith.constant 32 : i32
    %mul3A_140 = arith.muli %sub3A_138, %mul3A_139 : i32
    %add3A_141 = arith.constant 31 : i32
    %add3A_142 = arith.addi %add3A_141, %add3A_136 : i32
    %mul3A_143 = arith.constant 32 : i32
    %mul3A_144 = arith.muli %add3A_142, %mul3A_143 : i32
    %dma_start3A_145 = arith.constant 0 : i32
    %dma_start3A_146 = tpu.memref_slice %arg7[%dma_start3A_145, %mul3A_140] : memref<32x2048xf32, #tpu.memory_space<vmem>> -> memref<32x128xf32, #tpu.memory_space<vmem>>
    %dma_start3A_147 = arith.constant 0 : i32
    %dma_start3A_148 = tpu.memref_slice %arg4[%select_n3A, %dma_start3A_147, %mul3A_140] : memref<16x32x2048xf32, #tpu.memory_space<hbm>> -> memref<1x32x128xf32, #tpu.memory_space<hbm>>
    %dma_start3A_149 = tpu.memref_squeeze %dma_start3A_148 : memref<1x32x128xf32, #tpu.memory_space<hbm>> -> memref<32x128xf32, #tpu.memory_space<hbm>>
    %dma_start3A_150 = arith.constant 0 : i32
    %dma_start3A_151 = tpu.memref_slice %arg4[%select_n3A, %dma_start3A_150, %mul3A_140] : memref<16x32x2048xf32, #tpu.memory_space<hbm>> -> memref<1x32x128xf32, #tpu.memory_space<hbm>>
    %dma_start3A_152 = tpu.memref_squeeze %dma_start3A_151 : memref<1x32x128xf32, #tpu.memory_space<hbm>> -> memref<32x128xf32, #tpu.memory_space<hbm>>
    %dma_start3A_153 = arith.constant 0 : i32
    %dma_start3A_154 = tpu.memref_slice %arg7[%dma_start3A_153, %mul3A_140] : memref<32x2048xf32, #tpu.memory_space<vmem>> -> memref<32x128xf32, #tpu.memory_space<vmem>>
    tpu.enqueue_dma source(%dma_start3A_154 : memref<32x128xf32, #tpu.memory_space<vmem>>) target(%dma_start3A_152 : memref<32x128xf32, #tpu.memory_space<hbm>>) target_semaphore(%arg8 : memref<!tpu.dma_semaphore, #tpu.memory_space<semaphore_mem>>)
    %dma_start3A_155 = arith.constant 0 : i32
    %dma_start3A_156 = tpu.memref_slice %arg7[%dma_start3A_155, %mul3A_144] : memref<32x2048xf32, #tpu.memory_space<vmem>> -> memref<32x128xf32, #tpu.memory_space<vmem>>
    %dma_start3A_157 = arith.constant 0 : i32
    %dma_start3A_158 = tpu.memref_slice %arg4[%select_n3A, %dma_start3A_157, %mul3A_144] : memref<16x32x2048xf32, #tpu.memory_space<hbm>> -> memref<1x32x128xf32, #tpu.memory_space<hbm>>
    %dma_start3A_159 = tpu.memref_squeeze %dma_start3A_158 : memref<1x32x128xf32, #tpu.memory_space<hbm>> -> memref<32x128xf32, #tpu.memory_space<hbm>>
    %dma_start3A_160 = arith.constant 0 : i32
    %dma_start3A_161 = tpu.memref_slice %arg4[%select_n3A, %dma_start3A_160, %mul3A_144] : memref<16x32x2048xf32, #tpu.memory_space<hbm>> -> memref<1x32x128xf32, #tpu.memory_space<hbm>>
    %dma_start3A_162 = tpu.memref_squeeze %dma_start3A_161 : memref<1x32x128xf32, #tpu.memory_space<hbm>> -> memref<32x128xf32, #tpu.memory_space<hbm>>
    %dma_start3A_163 = arith.constant 0 : i32
    %dma_start3A_164 = tpu.memref_slice %arg7[%dma_start3A_163, %mul3A_144] : memref<32x2048xf32, #tpu.memory_space<vmem>> -> memref<32x128xf32, #tpu.memory_space<vmem>>
    tpu.enqueue_dma source(%dma_start3A_164 : memref<32x128xf32, #tpu.memory_space<vmem>>) target(%dma_start3A_162 : memref<32x128xf32, #tpu.memory_space<hbm>>) target_semaphore(%arg8 : memref<!tpu.dma_semaphore, #tpu.memory_space<semaphore_mem>>)
    %scan3A_165 = arith.constant 0 : i32
    %scan3A_166 = arith.constant 384 : i32
    %scan3A_167 = arith.constant 128 : i32
    %scan3A_168 = arith.addi %scan3A_166, %scan3A_167 : i32
    %scan3A_169 = arith.constant 1 : i32
    scf.for %scan3A_283 = %scan3A_166 to %scan3A_168 step %scan3A_169  : i32 {
      %shift_right_arithmetic3A = arith.constant 5 : i32
      %shift_right_arithmetic3A_284 = arith.shrsi %scan3A_283, %shift_right_arithmetic3A : i32
      %mul3A_285 = arith.constant 16 : i32
      %mul3A_286 = arith.muli %select_n3A_30, %mul3A_285 : i32
      %add3A_287 = arith.addi %shift_right_arithmetic3A_284, %mul3A_286 : i32
      %and3A_288 = arith.constant 31 : i32
      %and3A_289 = arith.andi %scan3A_283, %and3A_288 : i32
      %sub3A_290 = arith.constant 31 : i32
      %sub3A_291 = arith.subi %sub3A_290, %add3A_287 : i32
      %mul3A_292 = arith.constant 32 : i32
      %mul3A_293 = arith.muli %sub3A_291, %mul3A_292 : i32
      %add3A_294 = arith.constant 31 : i32
      %add3A_295 = arith.addi %add3A_294, %add3A_287 : i32
      %mul3A_296 = arith.constant 32 : i32
      %mul3A_297 = arith.muli %add3A_295, %mul3A_296 : i32
      %get3A = arith.index_cast %scan3A_283 : i32 to index
      %get3A_298 = arith.constant 0 : index
      %get3A_299 = tpu.vector_load %arg6[%get3A, %get3A_298] {strides = array<i32>} : memref<512x32xi32, #tpu.memory_space<vmem>>, vector<16xi32>,
      %mul3A_300 = arith.constant 16 : i32
      %mul3A_301 = vector.broadcast %mul3A_300 : i32 to vector<16xi32>
      %mul3A_302 = arith.muli %get3A_299, %mul3A_301 : vector<16xi32>
      %add3A_303 = vector.broadcast %sub3A_51 : i32 to vector<16xi32>
      %add3A_304 = arith.addi %mul3A_302, %add3A_303 : vector<16xi32>
      %gather3A = tpu.vector_load_idx %arg5[%add3A_304] : memref<8192xf32, #tpu.memory_space<vmem>>[vector<16xi32>], vector<16xf32>,
      %add3A_305 = arith.constant 0 : i32
      %add3A_306 = arith.addi %mul3A_293, %add3A_305 : i32
      %swap3A = arith.index_cast %and3A_289 : i32 to index
      %swap3A_307 = arith.index_cast %add3A_306 : i32 to index
      %swap3A_308 = tpu.vector_load %arg7[%swap3A, %swap3A_307] {strides = array<i32>} : memref<32x2048xf32, #tpu.memory_space<vmem>>, vector<16xf32>,
      tpu.vector_store %arg7[%swap3A, %swap3A_307], %gather3A {strides = array<i32>} : memref<32x2048xf32, #tpu.memory_space<vmem>>, vector<16xf32>,
      %add3A_309 = arith.constant 0 : i32
      %add3A_310 = arith.addi %mul3A_297, %add3A_309 : i32
      %swap3A_311 = arith.index_cast %and3A_289 : i32 to index
      %swap3A_312 = arith.index_cast %add3A_310 : i32 to index
      %swap3A_313 = tpu.vector_load %arg7[%swap3A_311, %swap3A_312] {strides = array<i32>} : memref<32x2048xf32, #tpu.memory_space<vmem>>, vector<16xf32>,
      tpu.vector_store %arg7[%swap3A_311, %swap3A_312], %gather3A {strides = array<i32>} : memref<32x2048xf32, #tpu.memory_space<vmem>>, vector<16xf32>,
      %get3A_314 = arith.index_cast %scan3A_283 : i32 to index
      %get3A_315 = arith.constant 16 : index
      %get3A_316 = tpu.vector_load %arg6[%get3A_314, %get3A_315] {strides = array<i32>} : memref<512x32xi32, #tpu.memory_space<vmem>>, vector<16xi32>,
      %mul3A_317 = arith.constant 16 : i32
      %mul3A_318 = vector.broadcast %mul3A_317 : i32 to vector<16xi32>
      %mul3A_319 = arith.muli %get3A_316, %mul3A_318 : vector<16xi32>
      %add3A_320 = vector.broadcast %sub3A_51 : i32 to vector<16xi32>
      %add3A_321 = arith.addi %mul3A_319, %add3A_320 : vector<16xi32>
      %gather3A_322 = tpu.vector_load_idx %arg5[%add3A_321] : memref<8192xf32, #tpu.memory_space<vmem>>[vector<16xi32>], vector<16xf32>,
      %add3A_323 = arith.constant 16 : i32
      %add3A_324 = arith.addi %mul3A_293, %add3A_323 : i32
      %swap3A_325 = arith.index_cast %and3A_289 : i32 to index
      %swap3A_326 = arith.index_cast %add3A_324 : i32 to index
      %swap3A_327 = tpu.vector_load %arg7[%swap3A_325, %swap3A_326] {strides = array<i32>} : memref<32x2048xf32, #tpu.memory_space<vmem>>, vector<16xf32>,
      tpu.vector_store %arg7[%swap3A_325, %swap3A_326], %gather3A_322 {strides = array<i32>} : memref<32x2048xf32, #tpu.memory_space<vmem>>, vector<16xf32>,
      %add3A_328 = arith.constant 16 : i32
      %add3A_329 = arith.addi %mul3A_297, %add3A_328 : i32
      %swap3A_330 = arith.index_cast %and3A_289 : i32 to index
      %swap3A_331 = arith.index_cast %add3A_329 : i32 to index
      %swap3A_332 = tpu.vector_load %arg7[%swap3A_330, %swap3A_331] {strides = array<i32>} : memref<32x2048xf32, #tpu.memory_space<vmem>>, vector<16xf32>,
      tpu.vector_store %arg7[%swap3A_330, %swap3A_331], %gather3A_322 {strides = array<i32>} : memref<32x2048xf32, #tpu.memory_space<vmem>>, vector<16xf32>,
    }
    %scan3A_170 = arith.constant 128 : i32
    %mul3A_171 = arith.constant 16 : i32
    %mul3A_172 = arith.muli %select_n3A_30, %mul3A_171 : i32
    %add3A_173 = arith.constant 12 : i32
    %add3A_174 = arith.addi %mul3A_172, %add3A_173 : i32
    %sub3A_175 = arith.constant 28 : i32
    %sub3A_176 = arith.subi %sub3A_175, %add3A_174 : i32
    %mul3A_177 = arith.constant 32 : i32
    %mul3A_178 = arith.muli %sub3A_176, %mul3A_177 : i32
    %add3A_179 = arith.constant 31 : i32
    %add3A_180 = arith.addi %add3A_179, %add3A_174 : i32
    %mul3A_181 = arith.constant 32 : i32
    %mul3A_182 = arith.muli %add3A_180, %mul3A_181 : i32
    %dma_start3A_183 = arith.constant 0 : i32
    %dma_start3A_184 = tpu.memref_slice %arg7[%dma_start3A_183, %mul3A_178] : memref<32x2048xf32, #tpu.memory_space<vmem>> -> memref<32x128xf32, #tpu.memory_space<vmem>>
    %dma_start3A_185 = arith.constant 0 : i32
    %dma_start3A_186 = tpu.memref_slice %arg4[%select_n3A, %dma_start3A_185, %mul3A_178] : memref<16x32x2048xf32, #tpu.memory_space<hbm>> -> memref<1x32x128xf32, #tpu.memory_space<hbm>>
    %dma_start3A_187 = tpu.memref_squeeze %dma_start3A_186 : memref<1x32x128xf32, #tpu.memory_space<hbm>> -> memref<32x128xf32, #tpu.memory_space<hbm>>
    %dma_start3A_188 = arith.constant 0 : i32
    %dma_start3A_189 = tpu.memref_slice %arg4[%select_n3A, %dma_start3A_188, %mul3A_178] : memref<16x32x2048xf32, #tpu.memory_space<hbm>> -> memref<1x32x128xf32, #tpu.memory_space<hbm>>
    %dma_start3A_190 = tpu.memref_squeeze %dma_start3A_189 : memref<1x32x128xf32, #tpu.memory_space<hbm>> -> memref<32x128xf32, #tpu.memory_space<hbm>>
    %dma_start3A_191 = arith.constant 0 : i32
    %dma_start3A_192 = tpu.memref_slice %arg7[%dma_start3A_191, %mul3A_178] : memref<32x2048xf32, #tpu.memory_space<vmem>> -> memref<32x128xf32, #tpu.memory_space<vmem>>
    tpu.enqueue_dma source(%dma_start3A_192 : memref<32x128xf32, #tpu.memory_space<vmem>>) target(%dma_start3A_190 : memref<32x128xf32, #tpu.memory_space<hbm>>) target_semaphore(%arg8 : memref<!tpu.dma_semaphore, #tpu.memory_space<semaphore_mem>>)
    %dma_start3A_193 = arith.constant 0 : i32
    %dma_start3A_194 = tpu.memref_slice %arg7[%dma_start3A_193, %mul3A_182] : memref<32x2048xf32, #tpu.memory_space<vmem>> -> memref<32x128xf32, #tpu.memory_space<vmem>>
    %dma_start3A_195 = arith.constant 0 : i32
    %dma_start3A_196 = tpu.memref_slice %arg4[%select_n3A, %dma_start3A_195, %mul3A_182] : memref<16x32x2048xf32, #tpu.memory_space<hbm>> -> memref<1x32x128xf32, #tpu.memory_space<hbm>>
    %dma_start3A_197 = tpu.memref_squeeze %dma_start3A_196 : memref<1x32x128xf32, #tpu.memory_space<hbm>> -> memref<32x128xf32, #tpu.memory_space<hbm>>
    %dma_start3A_198 = arith.constant 0 : i32
    %dma_start3A_199 = tpu.memref_slice %arg4[%select_n3A, %dma_start3A_198, %mul3A_182] : memref<16x32x2048xf32, #tpu.memory_space<hbm>> -> memref<1x32x128xf32, #tpu.memory_space<hbm>>
    %dma_start3A_200 = tpu.memref_squeeze %dma_start3A_199 : memref<1x32x128xf32, #tpu.memory_space<hbm>> -> memref<32x128xf32, #tpu.memory_space<hbm>>
    %dma_start3A_201 = arith.constant 0 : i32
    %dma_start3A_202 = tpu.memref_slice %arg7[%dma_start3A_201, %mul3A_182] : memref<32x2048xf32, #tpu.memory_space<vmem>> -> memref<32x128xf32, #tpu.memory_space<vmem>>
    tpu.enqueue_dma source(%dma_start3A_202 : memref<32x128xf32, #tpu.memory_space<vmem>>) target(%dma_start3A_200 : memref<32x128xf32, #tpu.memory_space<hbm>>) target_semaphore(%arg8 : memref<!tpu.dma_semaphore, #tpu.memory_space<semaphore_mem>>)
    %dma_wait3A_203 = arith.constant 0 : i32
    %dma_wait3A_204 = tpu.memref_slice %arg7[%dma_wait3A_203, %mul3A_64] : memref<32x2048xf32, #tpu.memory_space<vmem>> -> memref<32x128xf32, #tpu.memory_space<vmem>>
    %dma_wait3A_205 = arith.constant 0 : i32
    %dma_wait3A_206 = tpu.memref_slice %arg4[%select_n3A, %dma_wait3A_205, %mul3A_64] : memref<16x32x2048xf32, #tpu.memory_space<hbm>> -> memref<1x32x128xf32, #tpu.memory_space<hbm>>
    %dma_wait3A_207 = tpu.memref_squeeze %dma_wait3A_206 : memref<1x32x128xf32, #tpu.memory_space<hbm>> -> memref<32x128xf32, #tpu.memory_space<hbm>>
    %dma_wait3A_208 = arith.constant 0 : i32
    %dma_wait3A_209 = tpu.memref_slice %arg4[%select_n3A, %dma_wait3A_208, %mul3A_64] : memref<16x32x2048xf32, #tpu.memory_space<hbm>> -> memref<1x32x128xf32, #tpu.memory_space<hbm>>
    %dma_wait3A_210 = tpu.memref_squeeze %dma_wait3A_209 : memref<1x32x128xf32, #tpu.memory_space<hbm>> -> memref<32x128xf32, #tpu.memory_space<hbm>>
    %dma_wait3A_211 = arith.constant 0 : i32
    %dma_wait3A_212 = tpu.memref_slice %arg7[%dma_wait3A_211, %mul3A_64] : memref<32x2048xf32, #tpu.memory_space<vmem>> -> memref<32x128xf32, #tpu.memory_space<vmem>>
    tpu.wait_dma2 semaphore(%arg8 : memref<!tpu.dma_semaphore, #tpu.memory_space<semaphore_mem>>) src(%dma_wait3A_212 : memref<32x128xf32, #tpu.memory_space<vmem>>) dst(%dma_wait3A_210 : memref<32x128xf32, #tpu.memory_space<hbm>>)
    %dma_wait3A_213 = arith.constant 0 : i32
    %dma_wait3A_214 = tpu.memref_slice %arg7[%dma_wait3A_213, %mul3A_68] : memref<32x2048xf32, #tpu.memory_space<vmem>> -> memref<32x128xf32, #tpu.memory_space<vmem>>
    %dma_wait3A_215 = arith.constant 0 : i32
    %dma_wait3A_216 = tpu.memref_slice %arg4[%select_n3A, %dma_wait3A_215, %mul3A_68] : memref<16x32x2048xf32, #tpu.memory_space<hbm>> -> memref<1x32x128xf32, #tpu.memory_space<hbm>>
    %dma_wait3A_217 = tpu.memref_squeeze %dma_wait3A_216 : memref<1x32x128xf32, #tpu.memory_space<hbm>> -> memref<32x128xf32, #tpu.memory_space<hbm>>
    %dma_wait3A_218 = arith.constant 0 : i32
    %dma_wait3A_219 = tpu.memref_slice %arg4[%select_n3A, %dma_wait3A_218, %mul3A_68] : memref<16x32x2048xf32, #tpu.memory_space<hbm>> -> memref<1x32x128xf32, #tpu.memory_space<hbm>>
    %dma_wait3A_220 = tpu.memref_squeeze %dma_wait3A_219 : memref<1x32x128xf32, #tpu.memory_space<hbm>> -> memref<32x128xf32, #tpu.memory_space<hbm>>
    %dma_wait3A_221 = arith.constant 0 : i32
    %dma_wait3A_222 = tpu.memref_slice %arg7[%dma_wait3A_221, %mul3A_68] : memref<32x2048xf32, #tpu.memory_space<vmem>> -> memref<32x128xf32, #tpu.memory_space<vmem>>
    tpu.wait_dma2 semaphore(%arg8 : memref<!tpu.dma_semaphore, #tpu.memory_space<semaphore_mem>>) src(%dma_wait3A_222 : memref<32x128xf32, #tpu.memory_space<vmem>>) dst(%dma_wait3A_220 : memref<32x128xf32, #tpu.memory_space<hbm>>)
    %dma_wait3A_223 = arith.constant 0 : i32
    %dma_wait3A_224 = tpu.memref_slice %arg7[%dma_wait3A_223, %mul3A_102] : memref<32x2048xf32, #tpu.memory_space<vmem>> -> memref<32x128xf32, #tpu.memory_space<vmem>>
    %dma_wait3A_225 = arith.constant 0 : i32
    %dma_wait3A_226 = tpu.memref_slice %arg4[%select_n3A, %dma_wait3A_225, %mul3A_102] : memref<16x32x2048xf32, #tpu.memory_space<hbm>> -> memref<1x32x128xf32, #tpu.memory_space<hbm>>
    %dma_wait3A_227 = tpu.memref_squeeze %dma_wait3A_226 : memref<1x32x128xf32, #tpu.memory_space<hbm>> -> memref<32x128xf32, #tpu.memory_space<hbm>>
    %dma_wait3A_228 = arith.constant 0 : i32
    %dma_wait3A_229 = tpu.memref_slice %arg4[%select_n3A, %dma_wait3A_228, %mul3A_102] : memref<16x32x2048xf32, #tpu.memory_space<hbm>> -> memref<1x32x128xf32, #tpu.memory_space<hbm>>
    %dma_wait3A_230 = tpu.memref_squeeze %dma_wait3A_229 : memref<1x32x128xf32, #tpu.memory_space<hbm>> -> memref<32x128xf32, #tpu.memory_space<hbm>>
    %dma_wait3A_231 = arith.constant 0 : i32
    %dma_wait3A_232 = tpu.memref_slice %arg7[%dma_wait3A_231, %mul3A_102] : memref<32x2048xf32, #tpu.memory_space<vmem>> -> memref<32x128xf32, #tpu.memory_space<vmem>>
    tpu.wait_dma2 semaphore(%arg8 : memref<!tpu.dma_semaphore, #tpu.memory_space<semaphore_mem>>) src(%dma_wait3A_232 : memref<32x128xf32, #tpu.memory_space<vmem>>) dst(%dma_wait3A_230 : memref<32x128xf32, #tpu.memory_space<hbm>>)
    %dma_wait3A_233 = arith.constant 0 : i32
    %dma_wait3A_234 = tpu.memref_slice %arg7[%dma_wait3A_233, %mul3A_106] : memref<32x2048xf32, #tpu.memory_space<vmem>> -> memref<32x128xf32, #tpu.memory_space<vmem>>
    %dma_wait3A_235 = arith.constant 0 : i32
    %dma_wait3A_236 = tpu.memref_slice %arg4[%select_n3A, %dma_wait3A_235, %mul3A_106] : memref<16x32x2048xf32, #tpu.memory_space<hbm>> -> memref<1x32x128xf32, #tpu.memory_space<hbm>>
    %dma_wait3A_237 = tpu.memref_squeeze %dma_wait3A_236 : memref<1x32x128xf32, #tpu.memory_space<hbm>> -> memref<32x128xf32, #tpu.memory_space<hbm>>
    %dma_wait3A_238 = arith.constant 0 : i32
    %dma_wait3A_239 = tpu.memref_slice %arg4[%select_n3A, %dma_wait3A_238, %mul3A_106] : memref<16x32x2048xf32, #tpu.memory_space<hbm>> -> memref<1x32x128xf32, #tpu.memory_space<hbm>>
    %dma_wait3A_240 = tpu.memref_squeeze %dma_wait3A_239 : memref<1x32x128xf32, #tpu.memory_space<hbm>> -> memref<32x128xf32, #tpu.memory_space<hbm>>
    %dma_wait3A_241 = arith.constant 0 : i32
    %dma_wait3A_242 = tpu.memref_slice %arg7[%dma_wait3A_241, %mul3A_106] : memref<32x2048xf32, #tpu.memory_space<vmem>> -> memref<32x128xf32, #tpu.memory_space<vmem>>
    tpu.wait_dma2 semaphore(%arg8 : memref<!tpu.dma_semaphore, #tpu.memory_space<semaphore_mem>>) src(%dma_wait3A_242 : memref<32x128xf32, #tpu.memory_space<vmem>>) dst(%dma_wait3A_240 : memref<32x128xf32, #tpu.memory_space<hbm>>)
    %dma_wait3A_243 = arith.constant 0 : i32
    %dma_wait3A_244 = tpu.memref_slice %arg7[%dma_wait3A_243, %mul3A_140] : memref<32x2048xf32, #tpu.memory_space<vmem>> -> memref<32x128xf32, #tpu.memory_space<vmem>>
    %dma_wait3A_245 = arith.constant 0 : i32
    %dma_wait3A_246 = tpu.memref_slice %arg4[%select_n3A, %dma_wait3A_245, %mul3A_140] : memref<16x32x2048xf32, #tpu.memory_space<hbm>> -> memref<1x32x128xf32, #tpu.memory_space<hbm>>
    %dma_wait3A_247 = tpu.memref_squeeze %dma_wait3A_246 : memref<1x32x128xf32, #tpu.memory_space<hbm>> -> memref<32x128xf32, #tpu.memory_space<hbm>>
    %dma_wait3A_248 = arith.constant 0 : i32
    %dma_wait3A_249 = tpu.memref_slice %arg4[%select_n3A, %dma_wait3A_248, %mul3A_140] : memref<16x32x2048xf32, #tpu.memory_space<hbm>> -> memref<1x32x128xf32, #tpu.memory_space<hbm>>
    %dma_wait3A_250 = tpu.memref_squeeze %dma_wait3A_249 : memref<1x32x128xf32, #tpu.memory_space<hbm>> -> memref<32x128xf32, #tpu.memory_space<hbm>>
    %dma_wait3A_251 = arith.constant 0 : i32
    %dma_wait3A_252 = tpu.memref_slice %arg7[%dma_wait3A_251, %mul3A_140] : memref<32x2048xf32, #tpu.memory_space<vmem>> -> memref<32x128xf32, #tpu.memory_space<vmem>>
    tpu.wait_dma2 semaphore(%arg8 : memref<!tpu.dma_semaphore, #tpu.memory_space<semaphore_mem>>) src(%dma_wait3A_252 : memref<32x128xf32, #tpu.memory_space<vmem>>) dst(%dma_wait3A_250 : memref<32x128xf32, #tpu.memory_space<hbm>>)
    %dma_wait3A_253 = arith.constant 0 : i32
    %dma_wait3A_254 = tpu.memref_slice %arg7[%dma_wait3A_253, %mul3A_144] : memref<32x2048xf32, #tpu.memory_space<vmem>> -> memref<32x128xf32, #tpu.memory_space<vmem>>
    %dma_wait3A_255 = arith.constant 0 : i32
    %dma_wait3A_256 = tpu.memref_slice %arg4[%select_n3A, %dma_wait3A_255, %mul3A_144] : memref<16x32x2048xf32, #tpu.memory_space<hbm>> -> memref<1x32x128xf32, #tpu.memory_space<hbm>>
    %dma_wait3A_257 = tpu.memref_squeeze %dma_wait3A_256 : memref<1x32x128xf32, #tpu.memory_space<hbm>> -> memref<32x128xf32, #tpu.memory_space<hbm>>
    %dma_wait3A_258 = arith.constant 0 : i32
    %dma_wait3A_259 = tpu.memref_slice %arg4[%select_n3A, %dma_wait3A_258, %mul3A_144] : memref<16x32x2048xf32, #tpu.memory_space<hbm>> -> memref<1x32x128xf32, #tpu.memory_space<hbm>>
    %dma_wait3A_260 = tpu.memref_squeeze %dma_wait3A_259 : memref<1x32x128xf32, #tpu.memory_space<hbm>> -> memref<32x128xf32, #tpu.memory_space<hbm>>
    %dma_wait3A_261 = arith.constant 0 : i32
    %dma_wait3A_262 = tpu.memref_slice %arg7[%dma_wait3A_261, %mul3A_144] : memref<32x2048xf32, #tpu.memory_space<vmem>> -> memref<32x128xf32, #tpu.memory_space<vmem>>
    tpu.wait_dma2 semaphore(%arg8 : memref<!tpu.dma_semaphore, #tpu.memory_space<semaphore_mem>>) src(%dma_wait3A_262 : memref<32x128xf32, #tpu.memory_space<vmem>>) dst(%dma_wait3A_260 : memref<32x128xf32, #tpu.memory_space<hbm>>)
    %dma_wait3A_263 = arith.constant 0 : i32
    %dma_wait3A_264 = tpu.memref_slice %arg7[%dma_wait3A_263, %mul3A_178] : memref<32x2048xf32, #tpu.memory_space<vmem>> -> memref<32x128xf32, #tpu.memory_space<vmem>>
    %dma_wait3A_265 = arith.constant 0 : i32
    %dma_wait3A_266 = tpu.memref_slice %arg4[%select_n3A, %dma_wait3A_265, %mul3A_178] : memref<16x32x2048xf32, #tpu.memory_space<hbm>> -> memref<1x32x128xf32, #tpu.memory_space<hbm>>
    %dma_wait3A_267 = tpu.memref_squeeze %dma_wait3A_266 : memref<1x32x128xf32, #tpu.memory_space<hbm>> -> memref<32x128xf32, #tpu.memory_space<hbm>>
    %dma_wait3A_268 = arith.constant 0 : i32
    %dma_wait3A_269 = tpu.memref_slice %arg4[%select_n3A, %dma_wait3A_268, %mul3A_178] : memref<16x32x2048xf32, #tpu.memory_space<hbm>> -> memref<1x32x128xf32, #tpu.memory_space<hbm>>
    %dma_wait3A_270 = tpu.memref_squeeze %dma_wait3A_269 : memref<1x32x128xf32, #tpu.memory_space<hbm>> -> memref<32x128xf32, #tpu.memory_space<hbm>>
    %dma_wait3A_271 = arith.constant 0 : i32
    %dma_wait3A_272 = tpu.memref_slice %arg7[%dma_wait3A_271, %mul3A_178] : memref<32x2048xf32, #tpu.memory_space<vmem>> -> memref<32x128xf32, #tpu.memory_space<vmem>>
    tpu.wait_dma2 semaphore(%arg8 : memref<!tpu.dma_semaphore, #tpu.memory_space<semaphore_mem>>) src(%dma_wait3A_272 : memref<32x128xf32, #tpu.memory_space<vmem>>) dst(%dma_wait3A_270 : memref<32x128xf32, #tpu.memory_space<hbm>>)
    %dma_wait3A_273 = arith.constant 0 : i32
    %dma_wait3A_274 = tpu.memref_slice %arg7[%dma_wait3A_273, %mul3A_182] : memref<32x2048xf32, #tpu.memory_space<vmem>> -> memref<32x128xf32, #tpu.memory_space<vmem>>
    %dma_wait3A_275 = arith.constant 0 : i32
    %dma_wait3A_276 = tpu.memref_slice %arg4[%select_n3A, %dma_wait3A_275, %mul3A_182] : memref<16x32x2048xf32, #tpu.memory_space<hbm>> -> memref<1x32x128xf32, #tpu.memory_space<hbm>>
    %dma_wait3A_277 = tpu.memref_squeeze %dma_wait3A_276 : memref<1x32x128xf32, #tpu.memory_space<hbm>> -> memref<32x128xf32, #tpu.memory_space<hbm>>
    %dma_wait3A_278 = arith.constant 0 : i32
    %dma_wait3A_279 = tpu.memref_slice %arg4[%select_n3A, %dma_wait3A_278, %mul3A_182] : memref<16x32x2048xf32, #tpu.memory_space<hbm>> -> memref<1x32x128xf32, #tpu.memory_space<hbm>>
    %dma_wait3A_280 = tpu.memref_squeeze %dma_wait3A_279 : memref<1x32x128xf32, #tpu.memory_space<hbm>> -> memref<32x128xf32, #tpu.memory_space<hbm>>
    %dma_wait3A_281 = arith.constant 0 : i32
    %dma_wait3A_282 = tpu.memref_slice %arg7[%dma_wait3A_281, %mul3A_182] : memref<32x2048xf32, #tpu.memory_space<vmem>> -> memref<32x128xf32, #tpu.memory_space<vmem>>
    tpu.wait_dma2 semaphore(%arg8 : memref<!tpu.dma_semaphore, #tpu.memory_space<semaphore_mem>>) src(%dma_wait3A_282 : memref<32x128xf32, #tpu.memory_space<vmem>>) dst(%dma_wait3A_280 : memref<32x128xf32, #tpu.memory_space<hbm>>)
    return
  }
}

module attributes {stable_mosaic.version = 14 : i64} {
  func.func @_tc_body(%arg0: i32, %arg1: memref<1x32x2048xf32, #tpu.memory_space<vmem>>, %arg2: memref<1x1024x1024xf32, #tpu.memory_space<vmem>>, %arg3: memref<4x32x2048xf32, #tpu.memory_space<vmem>>) attributes {dimension_semantics = [#tpu.dimension_semantics<arbitrary>], iteration_bounds = array<i64: 16>, scalar_prefetch = 0 : i64, scratch_operands = 1 : i64, tpu.core_type = #tpu.core_type<tc>, window_params = [{transform_indices = @transform_0, window_bounds = array<i64: 1, 32, 2048>}, {transform_indices = @transform_1, window_bounds = array<i64: 1, 1024, 1024>}]} {
    %get3A = arith.constant 0 : index
    %get3A_0 = arith.constant 0 : index
    %get3A_1 = arith.constant 0 : index
    %get3A_2 = vector.load %arg1[%get3A, %get3A_0, %get3A_1] : memref<1x32x2048xf32, #tpu.memory_space<vmem>>, vector<1x32x2048xf32>
    %get3A_3 = vector.shape_cast %get3A_2 : vector<1x32x2048xf32> to vector<32x2048xf32>
    %swap3A = arith.constant 0 : index
    %swap3A_4 = arith.constant 0 : index
    %swap3A_5 = arith.constant 0 : index
    %swap3A_6 = vector.load %arg3[%swap3A, %swap3A_4, %swap3A_5] : memref<4x32x2048xf32, #tpu.memory_space<vmem>>, vector<1x32x2048xf32>
    %swap3A_7 = vector.shape_cast %swap3A_6 : vector<1x32x2048xf32> to vector<32x2048xf32>
    %swap3A_8 = vector.shape_cast %get3A_3 : vector<32x2048xf32> to vector<1x32x2048xf32>
    tpu.vector_store %arg3[%swap3A, %swap3A_4, %swap3A_5], %swap3A_8 {strides = array<i32>} : memref<4x32x2048xf32, #tpu.memory_space<vmem>>, vector<1x32x2048xf32>,
    %slice3A = vector.extract_strided_slice %get3A_3 {offsets = [0, 32], sizes = [32, 2016], strides = [1, 1]} : vector<32x2048xf32> to vector<32x2016xf32>
    %slice3A_9 = vector.extract_strided_slice %get3A_3 {offsets = [0, 0], sizes = [32, 32], strides = [1, 1]} : vector<32x2048xf32> to vector<32x32xf32>
    %concatenate3A = tpu.concatenate %slice3A, %slice3A_9 in 1 : vector<32x2016xf32>, vector<32x32xf32> -> vector<32x2048xf32>
    %swap3A_10 = arith.constant 1 : index
    %swap3A_11 = arith.constant 0 : index
    %swap3A_12 = arith.constant 0 : index
    %swap3A_13 = vector.load %arg3[%swap3A_10, %swap3A_11, %swap3A_12] : memref<4x32x2048xf32, #tpu.memory_space<vmem>>, vector<1x32x2048xf32>
    %swap3A_14 = vector.shape_cast %swap3A_13 : vector<1x32x2048xf32> to vector<32x2048xf32>
    %swap3A_15 = vector.shape_cast %concatenate3A : vector<32x2048xf32> to vector<1x32x2048xf32>
    tpu.vector_store %arg3[%swap3A_10, %swap3A_11, %swap3A_12], %swap3A_15 {strides = array<i32>} : memref<4x32x2048xf32, #tpu.memory_space<vmem>>, vector<1x32x2048xf32>,
    %slice3A_16 = vector.extract_strided_slice %get3A_3 {offsets = [0, 64], sizes = [32, 1984], strides = [1, 1]} : vector<32x2048xf32> to vector<32x1984xf32>
    %slice3A_17 = vector.extract_strided_slice %get3A_3 {offsets = [0, 0], sizes = [32, 64], strides = [1, 1]} : vector<32x2048xf32> to vector<32x64xf32>
    %concatenate3A_18 = tpu.concatenate %slice3A_16, %slice3A_17 in 1 : vector<32x1984xf32>, vector<32x64xf32> -> vector<32x2048xf32>
    %swap3A_19 = arith.constant 2 : index
    %swap3A_20 = arith.constant 0 : index
    %swap3A_21 = arith.constant 0 : index
    %swap3A_22 = vector.load %arg3[%swap3A_19, %swap3A_20, %swap3A_21] : memref<4x32x2048xf32, #tpu.memory_space<vmem>>, vector<1x32x2048xf32>
    %swap3A_23 = vector.shape_cast %swap3A_22 : vector<1x32x2048xf32> to vector<32x2048xf32>
    %swap3A_24 = vector.shape_cast %concatenate3A_18 : vector<32x2048xf32> to vector<1x32x2048xf32>
    tpu.vector_store %arg3[%swap3A_19, %swap3A_20, %swap3A_21], %swap3A_24 {strides = array<i32>} : memref<4x32x2048xf32, #tpu.memory_space<vmem>>, vector<1x32x2048xf32>,
    %slice3A_25 = vector.extract_strided_slice %get3A_3 {offsets = [0, 96], sizes = [32, 1952], strides = [1, 1]} : vector<32x2048xf32> to vector<32x1952xf32>
    %slice3A_26 = vector.extract_strided_slice %get3A_3 {offsets = [0, 0], sizes = [32, 96], strides = [1, 1]} : vector<32x2048xf32> to vector<32x96xf32>
    %concatenate3A_27 = tpu.concatenate %slice3A_25, %slice3A_26 in 1 : vector<32x1952xf32>, vector<32x96xf32> -> vector<32x2048xf32>
    %swap3A_28 = arith.constant 3 : index
    %swap3A_29 = arith.constant 0 : index
    %swap3A_30 = arith.constant 0 : index
    %swap3A_31 = vector.load %arg3[%swap3A_28, %swap3A_29, %swap3A_30] : memref<4x32x2048xf32, #tpu.memory_space<vmem>>, vector<1x32x2048xf32>
    %swap3A_32 = vector.shape_cast %swap3A_31 : vector<1x32x2048xf32> to vector<32x2048xf32>
    %swap3A_33 = vector.shape_cast %concatenate3A_27 : vector<32x2048xf32> to vector<1x32x2048xf32>
    tpu.vector_store %arg3[%swap3A_28, %swap3A_29, %swap3A_30], %swap3A_33 {strides = array<i32>} : memref<4x32x2048xf32, #tpu.memory_space<vmem>>, vector<1x32x2048xf32>,
    %get3A_34 = arith.constant 3 : index
    %get3A_35 = arith.constant 0 : index
    %get3A_36 = arith.constant 896 : index
    %get3A_37 = vector.load %arg3[%get3A_34, %get3A_35, %get3A_36] : memref<4x32x2048xf32, #tpu.memory_space<vmem>>, vector<1x32x1024xf32>
    %get3A_38 = vector.shape_cast %get3A_37 : vector<1x32x1024xf32> to vector<32x1024xf32>
    %swap3A_39 = arith.constant 0 : index
    %swap3A_40 = arith.constant 0 : index
    %swap3A_41 = arith.constant 0 : index
    %swap3A_42 = vector.load %arg2[%swap3A_39, %swap3A_40, %swap3A_41] : memref<1x1024x1024xf32, #tpu.memory_space<vmem>>, vector<1x32x1024xf32>
    %swap3A_43 = vector.shape_cast %swap3A_42 : vector<1x32x1024xf32> to vector<32x1024xf32>
    %swap3A_44 = vector.shape_cast %get3A_38 : vector<32x1024xf32> to vector<1x32x1024xf32>
    tpu.vector_store %arg2[%swap3A_39, %swap3A_40, %swap3A_41], %swap3A_44 {strides = array<i32>} : memref<1x1024x1024xf32, #tpu.memory_space<vmem>>, vector<1x32x1024xf32>,
    %get3A_45 = arith.constant 2 : index
    %get3A_46 = arith.constant 0 : index
    %get3A_47 = arith.constant 896 : index
    %get3A_48 = vector.load %arg3[%get3A_45, %get3A_46, %get3A_47] : memref<4x32x2048xf32, #tpu.memory_space<vmem>>, vector<1x32x1024xf32>
    %get3A_49 = vector.shape_cast %get3A_48 : vector<1x32x1024xf32> to vector<32x1024xf32>
    %swap3A_50 = arith.constant 0 : index
    %swap3A_51 = arith.constant 32 : index
    %swap3A_52 = arith.constant 0 : index
    %swap3A_53 = vector.load %arg2[%swap3A_50, %swap3A_51, %swap3A_52] : memref<1x1024x1024xf32, #tpu.memory_space<vmem>>, vector<1x32x1024xf32>
    %swap3A_54 = vector.shape_cast %swap3A_53 : vector<1x32x1024xf32> to vector<32x1024xf32>
    %swap3A_55 = vector.shape_cast %get3A_49 : vector<32x1024xf32> to vector<1x32x1024xf32>
    tpu.vector_store %arg2[%swap3A_50, %swap3A_51, %swap3A_52], %swap3A_55 {strides = array<i32>} : memref<1x1024x1024xf32, #tpu.memory_space<vmem>>, vector<1x32x1024xf32>,
    %get3A_56 = arith.constant 1 : index
    %get3A_57 = arith.constant 0 : index
    %get3A_58 = arith.constant 896 : index
    %get3A_59 = vector.load %arg3[%get3A_56, %get3A_57, %get3A_58] : memref<4x32x2048xf32, #tpu.memory_space<vmem>>, vector<1x32x1024xf32>
    %get3A_60 = vector.shape_cast %get3A_59 : vector<1x32x1024xf32> to vector<32x1024xf32>
    %swap3A_61 = arith.constant 0 : index
    %swap3A_62 = arith.constant 64 : index
    %swap3A_63 = arith.constant 0 : index
    %swap3A_64 = vector.load %arg2[%swap3A_61, %swap3A_62, %swap3A_63] : memref<1x1024x1024xf32, #tpu.memory_space<vmem>>, vector<1x32x1024xf32>
    %swap3A_65 = vector.shape_cast %swap3A_64 : vector<1x32x1024xf32> to vector<32x1024xf32>
    %swap3A_66 = vector.shape_cast %get3A_60 : vector<32x1024xf32> to vector<1x32x1024xf32>
    tpu.vector_store %arg2[%swap3A_61, %swap3A_62, %swap3A_63], %swap3A_66 {strides = array<i32>} : memref<1x1024x1024xf32, #tpu.memory_space<vmem>>, vector<1x32x1024xf32>,
    %get3A_67 = arith.constant 0 : index
    %get3A_68 = arith.constant 0 : index
    %get3A_69 = arith.constant 896 : index
    %get3A_70 = vector.load %arg3[%get3A_67, %get3A_68, %get3A_69] : memref<4x32x2048xf32, #tpu.memory_space<vmem>>, vector<1x32x1024xf32>
    %get3A_71 = vector.shape_cast %get3A_70 : vector<1x32x1024xf32> to vector<32x1024xf32>
    %swap3A_72 = arith.constant 0 : index
    %swap3A_73 = arith.constant 96 : index
    %swap3A_74 = arith.constant 0 : index
    %swap3A_75 = vector.load %arg2[%swap3A_72, %swap3A_73, %swap3A_74] : memref<1x1024x1024xf32, #tpu.memory_space<vmem>>, vector<1x32x1024xf32>
    %swap3A_76 = vector.shape_cast %swap3A_75 : vector<1x32x1024xf32> to vector<32x1024xf32>
    %swap3A_77 = vector.shape_cast %get3A_71 : vector<32x1024xf32> to vector<1x32x1024xf32>
    tpu.vector_store %arg2[%swap3A_72, %swap3A_73, %swap3A_74], %swap3A_77 {strides = array<i32>} : memref<1x1024x1024xf32, #tpu.memory_space<vmem>>, vector<1x32x1024xf32>,
    %get3A_78 = arith.constant 3 : index
    %get3A_79 = arith.constant 0 : index
    %get3A_80 = arith.constant 768 : index
    %get3A_81 = vector.load %arg3[%get3A_78, %get3A_79, %get3A_80] : memref<4x32x2048xf32, #tpu.memory_space<vmem>>, vector<1x32x1024xf32>
    %get3A_82 = vector.shape_cast %get3A_81 : vector<1x32x1024xf32> to vector<32x1024xf32>
    %swap3A_83 = arith.constant 0 : index
    %swap3A_84 = arith.constant 128 : index
    %swap3A_85 = arith.constant 0 : index
    %swap3A_86 = vector.load %arg2[%swap3A_83, %swap3A_84, %swap3A_85] : memref<1x1024x1024xf32, #tpu.memory_space<vmem>>, vector<1x32x1024xf32>
    %swap3A_87 = vector.shape_cast %swap3A_86 : vector<1x32x1024xf32> to vector<32x1024xf32>
    %swap3A_88 = vector.shape_cast %get3A_82 : vector<32x1024xf32> to vector<1x32x1024xf32>
    tpu.vector_store %arg2[%swap3A_83, %swap3A_84, %swap3A_85], %swap3A_88 {strides = array<i32>} : memref<1x1024x1024xf32, #tpu.memory_space<vmem>>, vector<1x32x1024xf32>,
    %get3A_89 = arith.constant 2 : index
    %get3A_90 = arith.constant 0 : index
    %get3A_91 = arith.constant 768 : index
    %get3A_92 = vector.load %arg3[%get3A_89, %get3A_90, %get3A_91] : memref<4x32x2048xf32, #tpu.memory_space<vmem>>, vector<1x32x1024xf32>
    %get3A_93 = vector.shape_cast %get3A_92 : vector<1x32x1024xf32> to vector<32x1024xf32>
    %swap3A_94 = arith.constant 0 : index
    %swap3A_95 = arith.constant 160 : index
    %swap3A_96 = arith.constant 0 : index
    %swap3A_97 = vector.load %arg2[%swap3A_94, %swap3A_95, %swap3A_96] : memref<1x1024x1024xf32, #tpu.memory_space<vmem>>, vector<1x32x1024xf32>
    %swap3A_98 = vector.shape_cast %swap3A_97 : vector<1x32x1024xf32> to vector<32x1024xf32>
    %swap3A_99 = vector.shape_cast %get3A_93 : vector<32x1024xf32> to vector<1x32x1024xf32>
    tpu.vector_store %arg2[%swap3A_94, %swap3A_95, %swap3A_96], %swap3A_99 {strides = array<i32>} : memref<1x1024x1024xf32, #tpu.memory_space<vmem>>, vector<1x32x1024xf32>,
    %get3A_100 = arith.constant 1 : index
    %get3A_101 = arith.constant 0 : index
    %get3A_102 = arith.constant 768 : index
    %get3A_103 = vector.load %arg3[%get3A_100, %get3A_101, %get3A_102] : memref<4x32x2048xf32, #tpu.memory_space<vmem>>, vector<1x32x1024xf32>
    %get3A_104 = vector.shape_cast %get3A_103 : vector<1x32x1024xf32> to vector<32x1024xf32>
    %swap3A_105 = arith.constant 0 : index
    %swap3A_106 = arith.constant 192 : index
    %swap3A_107 = arith.constant 0 : index
    %swap3A_108 = vector.load %arg2[%swap3A_105, %swap3A_106, %swap3A_107] : memref<1x1024x1024xf32, #tpu.memory_space<vmem>>, vector<1x32x1024xf32>
    %swap3A_109 = vector.shape_cast %swap3A_108 : vector<1x32x1024xf32> to vector<32x1024xf32>
    %swap3A_110 = vector.shape_cast %get3A_104 : vector<32x1024xf32> to vector<1x32x1024xf32>
    tpu.vector_store %arg2[%swap3A_105, %swap3A_106, %swap3A_107], %swap3A_110 {strides = array<i32>} : memref<1x1024x1024xf32, #tpu.memory_space<vmem>>, vector<1x32x1024xf32>,
    %get3A_111 = arith.constant 0 : index
    %get3A_112 = arith.constant 0 : index
    %get3A_113 = arith.constant 768 : index
    %get3A_114 = vector.load %arg3[%get3A_111, %get3A_112, %get3A_113] : memref<4x32x2048xf32, #tpu.memory_space<vmem>>, vector<1x32x1024xf32>
    %get3A_115 = vector.shape_cast %get3A_114 : vector<1x32x1024xf32> to vector<32x1024xf32>
    %swap3A_116 = arith.constant 0 : index
    %swap3A_117 = arith.constant 224 : index
    %swap3A_118 = arith.constant 0 : index
    %swap3A_119 = vector.load %arg2[%swap3A_116, %swap3A_117, %swap3A_118] : memref<1x1024x1024xf32, #tpu.memory_space<vmem>>, vector<1x32x1024xf32>
    %swap3A_120 = vector.shape_cast %swap3A_119 : vector<1x32x1024xf32> to vector<32x1024xf32>
    %swap3A_121 = vector.shape_cast %get3A_115 : vector<32x1024xf32> to vector<1x32x1024xf32>
    tpu.vector_store %arg2[%swap3A_116, %swap3A_117, %swap3A_118], %swap3A_121 {strides = array<i32>} : memref<1x1024x1024xf32, #tpu.memory_space<vmem>>, vector<1x32x1024xf32>,
    %get3A_122 = arith.constant 3 : index
    %get3A_123 = arith.constant 0 : index
    %get3A_124 = arith.constant 640 : index
    %get3A_125 = vector.load %arg3[%get3A_122, %get3A_123, %get3A_124] : memref<4x32x2048xf32, #tpu.memory_space<vmem>>, vector<1x32x1024xf32>
    %get3A_126 = vector.shape_cast %get3A_125 : vector<1x32x1024xf32> to vector<32x1024xf32>
    %swap3A_127 = arith.constant 0 : index
    %swap3A_128 = arith.constant 256 : index
    %swap3A_129 = arith.constant 0 : index
    %swap3A_130 = vector.load %arg2[%swap3A_127, %swap3A_128, %swap3A_129] : memref<1x1024x1024xf32, #tpu.memory_space<vmem>>, vector<1x32x1024xf32>
    %swap3A_131 = vector.shape_cast %swap3A_130 : vector<1x32x1024xf32> to vector<32x1024xf32>
    %swap3A_132 = vector.shape_cast %get3A_126 : vector<32x1024xf32> to vector<1x32x1024xf32>
    tpu.vector_store %arg2[%swap3A_127, %swap3A_128, %swap3A_129], %swap3A_132 {strides = array<i32>} : memref<1x1024x1024xf32, #tpu.memory_space<vmem>>, vector<1x32x1024xf32>,
    %get3A_133 = arith.constant 2 : index
    %get3A_134 = arith.constant 0 : index
    %get3A_135 = arith.constant 640 : index
    %get3A_136 = vector.load %arg3[%get3A_133, %get3A_134, %get3A_135] : memref<4x32x2048xf32, #tpu.memory_space<vmem>>, vector<1x32x1024xf32>
    %get3A_137 = vector.shape_cast %get3A_136 : vector<1x32x1024xf32> to vector<32x1024xf32>
    %swap3A_138 = arith.constant 0 : index
    %swap3A_139 = arith.constant 288 : index
    %swap3A_140 = arith.constant 0 : index
    %swap3A_141 = vector.load %arg2[%swap3A_138, %swap3A_139, %swap3A_140] : memref<1x1024x1024xf32, #tpu.memory_space<vmem>>, vector<1x32x1024xf32>
    %swap3A_142 = vector.shape_cast %swap3A_141 : vector<1x32x1024xf32> to vector<32x1024xf32>
    %swap3A_143 = vector.shape_cast %get3A_137 : vector<32x1024xf32> to vector<1x32x1024xf32>
    tpu.vector_store %arg2[%swap3A_138, %swap3A_139, %swap3A_140], %swap3A_143 {strides = array<i32>} : memref<1x1024x1024xf32, #tpu.memory_space<vmem>>, vector<1x32x1024xf32>,
    %get3A_144 = arith.constant 1 : index
    %get3A_145 = arith.constant 0 : index
    %get3A_146 = arith.constant 640 : index
    %get3A_147 = vector.load %arg3[%get3A_144, %get3A_145, %get3A_146] : memref<4x32x2048xf32, #tpu.memory_space<vmem>>, vector<1x32x1024xf32>
    %get3A_148 = vector.shape_cast %get3A_147 : vector<1x32x1024xf32> to vector<32x1024xf32>
    %swap3A_149 = arith.constant 0 : index
    %swap3A_150 = arith.constant 320 : index
    %swap3A_151 = arith.constant 0 : index
    %swap3A_152 = vector.load %arg2[%swap3A_149, %swap3A_150, %swap3A_151] : memref<1x1024x1024xf32, #tpu.memory_space<vmem>>, vector<1x32x1024xf32>
    %swap3A_153 = vector.shape_cast %swap3A_152 : vector<1x32x1024xf32> to vector<32x1024xf32>
    %swap3A_154 = vector.shape_cast %get3A_148 : vector<32x1024xf32> to vector<1x32x1024xf32>
    tpu.vector_store %arg2[%swap3A_149, %swap3A_150, %swap3A_151], %swap3A_154 {strides = array<i32>} : memref<1x1024x1024xf32, #tpu.memory_space<vmem>>, vector<1x32x1024xf32>,
    %get3A_155 = arith.constant 0 : index
    %get3A_156 = arith.constant 0 : index
    %get3A_157 = arith.constant 640 : index
    %get3A_158 = vector.load %arg3[%get3A_155, %get3A_156, %get3A_157] : memref<4x32x2048xf32, #tpu.memory_space<vmem>>, vector<1x32x1024xf32>
    %get3A_159 = vector.shape_cast %get3A_158 : vector<1x32x1024xf32> to vector<32x1024xf32>
    %swap3A_160 = arith.constant 0 : index
    %swap3A_161 = arith.constant 352 : index
    %swap3A_162 = arith.constant 0 : index
    %swap3A_163 = vector.load %arg2[%swap3A_160, %swap3A_161, %swap3A_162] : memref<1x1024x1024xf32, #tpu.memory_space<vmem>>, vector<1x32x1024xf32>
    %swap3A_164 = vector.shape_cast %swap3A_163 : vector<1x32x1024xf32> to vector<32x1024xf32>
    %swap3A_165 = vector.shape_cast %get3A_159 : vector<32x1024xf32> to vector<1x32x1024xf32>
    tpu.vector_store %arg2[%swap3A_160, %swap3A_161, %swap3A_162], %swap3A_165 {strides = array<i32>} : memref<1x1024x1024xf32, #tpu.memory_space<vmem>>, vector<1x32x1024xf32>,
    %get3A_166 = arith.constant 3 : index
    %get3A_167 = arith.constant 0 : index
    %get3A_168 = arith.constant 512 : index
    %get3A_169 = vector.load %arg3[%get3A_166, %get3A_167, %get3A_168] : memref<4x32x2048xf32, #tpu.memory_space<vmem>>, vector<1x32x1024xf32>
    %get3A_170 = vector.shape_cast %get3A_169 : vector<1x32x1024xf32> to vector<32x1024xf32>
    %swap3A_171 = arith.constant 0 : index
    %swap3A_172 = arith.constant 384 : index
    %swap3A_173 = arith.constant 0 : index
    %swap3A_174 = vector.load %arg2[%swap3A_171, %swap3A_172, %swap3A_173] : memref<1x1024x1024xf32, #tpu.memory_space<vmem>>, vector<1x32x1024xf32>
    %swap3A_175 = vector.shape_cast %swap3A_174 : vector<1x32x1024xf32> to vector<32x1024xf32>
    %swap3A_176 = vector.shape_cast %get3A_170 : vector<32x1024xf32> to vector<1x32x1024xf32>
    tpu.vector_store %arg2[%swap3A_171, %swap3A_172, %swap3A_173], %swap3A_176 {strides = array<i32>} : memref<1x1024x1024xf32, #tpu.memory_space<vmem>>, vector<1x32x1024xf32>,
    %get3A_177 = arith.constant 2 : index
    %get3A_178 = arith.constant 0 : index
    %get3A_179 = arith.constant 512 : index
    %get3A_180 = vector.load %arg3[%get3A_177, %get3A_178, %get3A_179] : memref<4x32x2048xf32, #tpu.memory_space<vmem>>, vector<1x32x1024xf32>
    %get3A_181 = vector.shape_cast %get3A_180 : vector<1x32x1024xf32> to vector<32x1024xf32>
    %swap3A_182 = arith.constant 0 : index
    %swap3A_183 = arith.constant 416 : index
    %swap3A_184 = arith.constant 0 : index
    %swap3A_185 = vector.load %arg2[%swap3A_182, %swap3A_183, %swap3A_184] : memref<1x1024x1024xf32, #tpu.memory_space<vmem>>, vector<1x32x1024xf32>
    %swap3A_186 = vector.shape_cast %swap3A_185 : vector<1x32x1024xf32> to vector<32x1024xf32>
    %swap3A_187 = vector.shape_cast %get3A_181 : vector<32x1024xf32> to vector<1x32x1024xf32>
    tpu.vector_store %arg2[%swap3A_182, %swap3A_183, %swap3A_184], %swap3A_187 {strides = array<i32>} : memref<1x1024x1024xf32, #tpu.memory_space<vmem>>, vector<1x32x1024xf32>,
    %get3A_188 = arith.constant 1 : index
    %get3A_189 = arith.constant 0 : index
    %get3A_190 = arith.constant 512 : index
    %get3A_191 = vector.load %arg3[%get3A_188, %get3A_189, %get3A_190] : memref<4x32x2048xf32, #tpu.memory_space<vmem>>, vector<1x32x1024xf32>
    %get3A_192 = vector.shape_cast %get3A_191 : vector<1x32x1024xf32> to vector<32x1024xf32>
    %swap3A_193 = arith.constant 0 : index
    %swap3A_194 = arith.constant 448 : index
    %swap3A_195 = arith.constant 0 : index
    %swap3A_196 = vector.load %arg2[%swap3A_193, %swap3A_194, %swap3A_195] : memref<1x1024x1024xf32, #tpu.memory_space<vmem>>, vector<1x32x1024xf32>
    %swap3A_197 = vector.shape_cast %swap3A_196 : vector<1x32x1024xf32> to vector<32x1024xf32>
    %swap3A_198 = vector.shape_cast %get3A_192 : vector<32x1024xf32> to vector<1x32x1024xf32>
    tpu.vector_store %arg2[%swap3A_193, %swap3A_194, %swap3A_195], %swap3A_198 {strides = array<i32>} : memref<1x1024x1024xf32, #tpu.memory_space<vmem>>, vector<1x32x1024xf32>,
    %get3A_199 = arith.constant 0 : index
    %get3A_200 = arith.constant 0 : index
    %get3A_201 = arith.constant 512 : index
    %get3A_202 = vector.load %arg3[%get3A_199, %get3A_200, %get3A_201] : memref<4x32x2048xf32, #tpu.memory_space<vmem>>, vector<1x32x1024xf32>
    %get3A_203 = vector.shape_cast %get3A_202 : vector<1x32x1024xf32> to vector<32x1024xf32>
    %swap3A_204 = arith.constant 0 : index
    %swap3A_205 = arith.constant 480 : index
    %swap3A_206 = arith.constant 0 : index
    %swap3A_207 = vector.load %arg2[%swap3A_204, %swap3A_205, %swap3A_206] : memref<1x1024x1024xf32, #tpu.memory_space<vmem>>, vector<1x32x1024xf32>
    %swap3A_208 = vector.shape_cast %swap3A_207 : vector<1x32x1024xf32> to vector<32x1024xf32>
    %swap3A_209 = vector.shape_cast %get3A_203 : vector<32x1024xf32> to vector<1x32x1024xf32>
    tpu.vector_store %arg2[%swap3A_204, %swap3A_205, %swap3A_206], %swap3A_209 {strides = array<i32>} : memref<1x1024x1024xf32, #tpu.memory_space<vmem>>, vector<1x32x1024xf32>,
    %get3A_210 = arith.constant 3 : index
    %get3A_211 = arith.constant 0 : index
    %get3A_212 = arith.constant 384 : index
    %get3A_213 = vector.load %arg3[%get3A_210, %get3A_211, %get3A_212] : memref<4x32x2048xf32, #tpu.memory_space<vmem>>, vector<1x32x1024xf32>
    %get3A_214 = vector.shape_cast %get3A_213 : vector<1x32x1024xf32> to vector<32x1024xf32>
    %swap3A_215 = arith.constant 0 : index
    %swap3A_216 = arith.constant 512 : index
    %swap3A_217 = arith.constant 0 : index
    %swap3A_218 = vector.load %arg2[%swap3A_215, %swap3A_216, %swap3A_217] : memref<1x1024x1024xf32, #tpu.memory_space<vmem>>, vector<1x32x1024xf32>
    %swap3A_219 = vector.shape_cast %swap3A_218 : vector<1x32x1024xf32> to vector<32x1024xf32>
    %swap3A_220 = vector.shape_cast %get3A_214 : vector<32x1024xf32> to vector<1x32x1024xf32>
    tpu.vector_store %arg2[%swap3A_215, %swap3A_216, %swap3A_217], %swap3A_220 {strides = array<i32>} : memref<1x1024x1024xf32, #tpu.memory_space<vmem>>, vector<1x32x1024xf32>,
    %get3A_221 = arith.constant 2 : index
    %get3A_222 = arith.constant 0 : index
    %get3A_223 = arith.constant 384 : index
    %get3A_224 = vector.load %arg3[%get3A_221, %get3A_222, %get3A_223] : memref<4x32x2048xf32, #tpu.memory_space<vmem>>, vector<1x32x1024xf32>
    %get3A_225 = vector.shape_cast %get3A_224 : vector<1x32x1024xf32> to vector<32x1024xf32>
    %swap3A_226 = arith.constant 0 : index
    %swap3A_227 = arith.constant 544 : index
    %swap3A_228 = arith.constant 0 : index
    %swap3A_229 = vector.load %arg2[%swap3A_226, %swap3A_227, %swap3A_228] : memref<1x1024x1024xf32, #tpu.memory_space<vmem>>, vector<1x32x1024xf32>
    %swap3A_230 = vector.shape_cast %swap3A_229 : vector<1x32x1024xf32> to vector<32x1024xf32>
    %swap3A_231 = vector.shape_cast %get3A_225 : vector<32x1024xf32> to vector<1x32x1024xf32>
    tpu.vector_store %arg2[%swap3A_226, %swap3A_227, %swap3A_228], %swap3A_231 {strides = array<i32>} : memref<1x1024x1024xf32, #tpu.memory_space<vmem>>, vector<1x32x1024xf32>,
    %get3A_232 = arith.constant 1 : index
    %get3A_233 = arith.constant 0 : index
    %get3A_234 = arith.constant 384 : index
    %get3A_235 = vector.load %arg3[%get3A_232, %get3A_233, %get3A_234] : memref<4x32x2048xf32, #tpu.memory_space<vmem>>, vector<1x32x1024xf32>
    %get3A_236 = vector.shape_cast %get3A_235 : vector<1x32x1024xf32> to vector<32x1024xf32>
    %swap3A_237 = arith.constant 0 : index
    %swap3A_238 = arith.constant 576 : index
    %swap3A_239 = arith.constant 0 : index
    %swap3A_240 = vector.load %arg2[%swap3A_237, %swap3A_238, %swap3A_239] : memref<1x1024x1024xf32, #tpu.memory_space<vmem>>, vector<1x32x1024xf32>
    %swap3A_241 = vector.shape_cast %swap3A_240 : vector<1x32x1024xf32> to vector<32x1024xf32>
    %swap3A_242 = vector.shape_cast %get3A_236 : vector<32x1024xf32> to vector<1x32x1024xf32>
    tpu.vector_store %arg2[%swap3A_237, %swap3A_238, %swap3A_239], %swap3A_242 {strides = array<i32>} : memref<1x1024x1024xf32, #tpu.memory_space<vmem>>, vector<1x32x1024xf32>,
    %get3A_243 = arith.constant 0 : index
    %get3A_244 = arith.constant 0 : index
    %get3A_245 = arith.constant 384 : index
    %get3A_246 = vector.load %arg3[%get3A_243, %get3A_244, %get3A_245] : memref<4x32x2048xf32, #tpu.memory_space<vmem>>, vector<1x32x1024xf32>
    %get3A_247 = vector.shape_cast %get3A_246 : vector<1x32x1024xf32> to vector<32x1024xf32>
    %swap3A_248 = arith.constant 0 : index
    %swap3A_249 = arith.constant 608 : index
    %swap3A_250 = arith.constant 0 : index
    %swap3A_251 = vector.load %arg2[%swap3A_248, %swap3A_249, %swap3A_250] : memref<1x1024x1024xf32, #tpu.memory_space<vmem>>, vector<1x32x1024xf32>
    %swap3A_252 = vector.shape_cast %swap3A_251 : vector<1x32x1024xf32> to vector<32x1024xf32>
    %swap3A_253 = vector.shape_cast %get3A_247 : vector<32x1024xf32> to vector<1x32x1024xf32>
    tpu.vector_store %arg2[%swap3A_248, %swap3A_249, %swap3A_250], %swap3A_253 {strides = array<i32>} : memref<1x1024x1024xf32, #tpu.memory_space<vmem>>, vector<1x32x1024xf32>,
    %get3A_254 = arith.constant 3 : index
    %get3A_255 = arith.constant 0 : index
    %get3A_256 = arith.constant 256 : index
    %get3A_257 = vector.load %arg3[%get3A_254, %get3A_255, %get3A_256] : memref<4x32x2048xf32, #tpu.memory_space<vmem>>, vector<1x32x1024xf32>
    %get3A_258 = vector.shape_cast %get3A_257 : vector<1x32x1024xf32> to vector<32x1024xf32>
    %swap3A_259 = arith.constant 0 : index
    %swap3A_260 = arith.constant 640 : index
    %swap3A_261 = arith.constant 0 : index
    %swap3A_262 = vector.load %arg2[%swap3A_259, %swap3A_260, %swap3A_261] : memref<1x1024x1024xf32, #tpu.memory_space<vmem>>, vector<1x32x1024xf32>
    %swap3A_263 = vector.shape_cast %swap3A_262 : vector<1x32x1024xf32> to vector<32x1024xf32>
    %swap3A_264 = vector.shape_cast %get3A_258 : vector<32x1024xf32> to vector<1x32x1024xf32>
    tpu.vector_store %arg2[%swap3A_259, %swap3A_260, %swap3A_261], %swap3A_264 {strides = array<i32>} : memref<1x1024x1024xf32, #tpu.memory_space<vmem>>, vector<1x32x1024xf32>,
    %get3A_265 = arith.constant 2 : index
    %get3A_266 = arith.constant 0 : index
    %get3A_267 = arith.constant 256 : index
    %get3A_268 = vector.load %arg3[%get3A_265, %get3A_266, %get3A_267] : memref<4x32x2048xf32, #tpu.memory_space<vmem>>, vector<1x32x1024xf32>
    %get3A_269 = vector.shape_cast %get3A_268 : vector<1x32x1024xf32> to vector<32x1024xf32>
    %swap3A_270 = arith.constant 0 : index
    %swap3A_271 = arith.constant 672 : index
    %swap3A_272 = arith.constant 0 : index
    %swap3A_273 = vector.load %arg2[%swap3A_270, %swap3A_271, %swap3A_272] : memref<1x1024x1024xf32, #tpu.memory_space<vmem>>, vector<1x32x1024xf32>
    %swap3A_274 = vector.shape_cast %swap3A_273 : vector<1x32x1024xf32> to vector<32x1024xf32>
    %swap3A_275 = vector.shape_cast %get3A_269 : vector<32x1024xf32> to vector<1x32x1024xf32>
    tpu.vector_store %arg2[%swap3A_270, %swap3A_271, %swap3A_272], %swap3A_275 {strides = array<i32>} : memref<1x1024x1024xf32, #tpu.memory_space<vmem>>, vector<1x32x1024xf32>,
    %get3A_276 = arith.constant 1 : index
    %get3A_277 = arith.constant 0 : index
    %get3A_278 = arith.constant 256 : index
    %get3A_279 = vector.load %arg3[%get3A_276, %get3A_277, %get3A_278] : memref<4x32x2048xf32, #tpu.memory_space<vmem>>, vector<1x32x1024xf32>
    %get3A_280 = vector.shape_cast %get3A_279 : vector<1x32x1024xf32> to vector<32x1024xf32>
    %swap3A_281 = arith.constant 0 : index
    %swap3A_282 = arith.constant 704 : index
    %swap3A_283 = arith.constant 0 : index
    %swap3A_284 = vector.load %arg2[%swap3A_281, %swap3A_282, %swap3A_283] : memref<1x1024x1024xf32, #tpu.memory_space<vmem>>, vector<1x32x1024xf32>
    %swap3A_285 = vector.shape_cast %swap3A_284 : vector<1x32x1024xf32> to vector<32x1024xf32>
    %swap3A_286 = vector.shape_cast %get3A_280 : vector<32x1024xf32> to vector<1x32x1024xf32>
    tpu.vector_store %arg2[%swap3A_281, %swap3A_282, %swap3A_283], %swap3A_286 {strides = array<i32>} : memref<1x1024x1024xf32, #tpu.memory_space<vmem>>, vector<1x32x1024xf32>,
    %get3A_287 = arith.constant 0 : index
    %get3A_288 = arith.constant 0 : index
    %get3A_289 = arith.constant 256 : index
    %get3A_290 = vector.load %arg3[%get3A_287, %get3A_288, %get3A_289] : memref<4x32x2048xf32, #tpu.memory_space<vmem>>, vector<1x32x1024xf32>
    %get3A_291 = vector.shape_cast %get3A_290 : vector<1x32x1024xf32> to vector<32x1024xf32>
    %swap3A_292 = arith.constant 0 : index
    %swap3A_293 = arith.constant 736 : index
    %swap3A_294 = arith.constant 0 : index
    %swap3A_295 = vector.load %arg2[%swap3A_292, %swap3A_293, %swap3A_294] : memref<1x1024x1024xf32, #tpu.memory_space<vmem>>, vector<1x32x1024xf32>
    %swap3A_296 = vector.shape_cast %swap3A_295 : vector<1x32x1024xf32> to vector<32x1024xf32>
    %swap3A_297 = vector.shape_cast %get3A_291 : vector<32x1024xf32> to vector<1x32x1024xf32>
    tpu.vector_store %arg2[%swap3A_292, %swap3A_293, %swap3A_294], %swap3A_297 {strides = array<i32>} : memref<1x1024x1024xf32, #tpu.memory_space<vmem>>, vector<1x32x1024xf32>,
    %get3A_298 = arith.constant 3 : index
    %get3A_299 = arith.constant 0 : index
    %get3A_300 = arith.constant 128 : index
    %get3A_301 = vector.load %arg3[%get3A_298, %get3A_299, %get3A_300] : memref<4x32x2048xf32, #tpu.memory_space<vmem>>, vector<1x32x1024xf32>
    %get3A_302 = vector.shape_cast %get3A_301 : vector<1x32x1024xf32> to vector<32x1024xf32>
    %swap3A_303 = arith.constant 0 : index
    %swap3A_304 = arith.constant 768 : index
    %swap3A_305 = arith.constant 0 : index
    %swap3A_306 = vector.load %arg2[%swap3A_303, %swap3A_304, %swap3A_305] : memref<1x1024x1024xf32, #tpu.memory_space<vmem>>, vector<1x32x1024xf32>
    %swap3A_307 = vector.shape_cast %swap3A_306 : vector<1x32x1024xf32> to vector<32x1024xf32>
    %swap3A_308 = vector.shape_cast %get3A_302 : vector<32x1024xf32> to vector<1x32x1024xf32>
    tpu.vector_store %arg2[%swap3A_303, %swap3A_304, %swap3A_305], %swap3A_308 {strides = array<i32>} : memref<1x1024x1024xf32, #tpu.memory_space<vmem>>, vector<1x32x1024xf32>,
    %get3A_309 = arith.constant 2 : index
    %get3A_310 = arith.constant 0 : index
    %get3A_311 = arith.constant 128 : index
    %get3A_312 = vector.load %arg3[%get3A_309, %get3A_310, %get3A_311] : memref<4x32x2048xf32, #tpu.memory_space<vmem>>, vector<1x32x1024xf32>
    %get3A_313 = vector.shape_cast %get3A_312 : vector<1x32x1024xf32> to vector<32x1024xf32>
    %swap3A_314 = arith.constant 0 : index
    %swap3A_315 = arith.constant 800 : index
    %swap3A_316 = arith.constant 0 : index
    %swap3A_317 = vector.load %arg2[%swap3A_314, %swap3A_315, %swap3A_316] : memref<1x1024x1024xf32, #tpu.memory_space<vmem>>, vector<1x32x1024xf32>
    %swap3A_318 = vector.shape_cast %swap3A_317 : vector<1x32x1024xf32> to vector<32x1024xf32>
    %swap3A_319 = vector.shape_cast %get3A_313 : vector<32x1024xf32> to vector<1x32x1024xf32>
    tpu.vector_store %arg2[%swap3A_314, %swap3A_315, %swap3A_316], %swap3A_319 {strides = array<i32>} : memref<1x1024x1024xf32, #tpu.memory_space<vmem>>, vector<1x32x1024xf32>,
    %get3A_320 = arith.constant 1 : index
    %get3A_321 = arith.constant 0 : index
    %get3A_322 = arith.constant 128 : index
    %get3A_323 = vector.load %arg3[%get3A_320, %get3A_321, %get3A_322] : memref<4x32x2048xf32, #tpu.memory_space<vmem>>, vector<1x32x1024xf32>
    %get3A_324 = vector.shape_cast %get3A_323 : vector<1x32x1024xf32> to vector<32x1024xf32>
    %swap3A_325 = arith.constant 0 : index
    %swap3A_326 = arith.constant 832 : index
    %swap3A_327 = arith.constant 0 : index
    %swap3A_328 = vector.load %arg2[%swap3A_325, %swap3A_326, %swap3A_327] : memref<1x1024x1024xf32, #tpu.memory_space<vmem>>, vector<1x32x1024xf32>
    %swap3A_329 = vector.shape_cast %swap3A_328 : vector<1x32x1024xf32> to vector<32x1024xf32>
    %swap3A_330 = vector.shape_cast %get3A_324 : vector<32x1024xf32> to vector<1x32x1024xf32>
    tpu.vector_store %arg2[%swap3A_325, %swap3A_326, %swap3A_327], %swap3A_330 {strides = array<i32>} : memref<1x1024x1024xf32, #tpu.memory_space<vmem>>, vector<1x32x1024xf32>,
    %get3A_331 = arith.constant 0 : index
    %get3A_332 = arith.constant 0 : index
    %get3A_333 = arith.constant 128 : index
    %get3A_334 = vector.load %arg3[%get3A_331, %get3A_332, %get3A_333] : memref<4x32x2048xf32, #tpu.memory_space<vmem>>, vector<1x32x1024xf32>
    %get3A_335 = vector.shape_cast %get3A_334 : vector<1x32x1024xf32> to vector<32x1024xf32>
    %swap3A_336 = arith.constant 0 : index
    %swap3A_337 = arith.constant 864 : index
    %swap3A_338 = arith.constant 0 : index
    %swap3A_339 = vector.load %arg2[%swap3A_336, %swap3A_337, %swap3A_338] : memref<1x1024x1024xf32, #tpu.memory_space<vmem>>, vector<1x32x1024xf32>
    %swap3A_340 = vector.shape_cast %swap3A_339 : vector<1x32x1024xf32> to vector<32x1024xf32>
    %swap3A_341 = vector.shape_cast %get3A_335 : vector<32x1024xf32> to vector<1x32x1024xf32>
    tpu.vector_store %arg2[%swap3A_336, %swap3A_337, %swap3A_338], %swap3A_341 {strides = array<i32>} : memref<1x1024x1024xf32, #tpu.memory_space<vmem>>, vector<1x32x1024xf32>,
    %get3A_342 = arith.constant 3 : index
    %get3A_343 = arith.constant 0 : index
    %get3A_344 = arith.constant 0 : index
    %get3A_345 = vector.load %arg3[%get3A_342, %get3A_343, %get3A_344] : memref<4x32x2048xf32, #tpu.memory_space<vmem>>, vector<1x32x1024xf32>
    %get3A_346 = vector.shape_cast %get3A_345 : vector<1x32x1024xf32> to vector<32x1024xf32>
    %swap3A_347 = arith.constant 0 : index
    %swap3A_348 = arith.constant 896 : index
    %swap3A_349 = arith.constant 0 : index
    %swap3A_350 = vector.load %arg2[%swap3A_347, %swap3A_348, %swap3A_349] : memref<1x1024x1024xf32, #tpu.memory_space<vmem>>, vector<1x32x1024xf32>
    %swap3A_351 = vector.shape_cast %swap3A_350 : vector<1x32x1024xf32> to vector<32x1024xf32>
    %swap3A_352 = vector.shape_cast %get3A_346 : vector<32x1024xf32> to vector<1x32x1024xf32>
    tpu.vector_store %arg2[%swap3A_347, %swap3A_348, %swap3A_349], %swap3A_352 {strides = array<i32>} : memref<1x1024x1024xf32, #tpu.memory_space<vmem>>, vector<1x32x1024xf32>,
    %get3A_353 = arith.constant 2 : index
    %get3A_354 = arith.constant 0 : index
    %get3A_355 = arith.constant 0 : index
    %get3A_356 = vector.load %arg3[%get3A_353, %get3A_354, %get3A_355] : memref<4x32x2048xf32, #tpu.memory_space<vmem>>, vector<1x32x1024xf32>
    %get3A_357 = vector.shape_cast %get3A_356 : vector<1x32x1024xf32> to vector<32x1024xf32>
    %swap3A_358 = arith.constant 0 : index
    %swap3A_359 = arith.constant 928 : index
    %swap3A_360 = arith.constant 0 : index
    %swap3A_361 = vector.load %arg2[%swap3A_358, %swap3A_359, %swap3A_360] : memref<1x1024x1024xf32, #tpu.memory_space<vmem>>, vector<1x32x1024xf32>
    %swap3A_362 = vector.shape_cast %swap3A_361 : vector<1x32x1024xf32> to vector<32x1024xf32>
    %swap3A_363 = vector.shape_cast %get3A_357 : vector<32x1024xf32> to vector<1x32x1024xf32>
    tpu.vector_store %arg2[%swap3A_358, %swap3A_359, %swap3A_360], %swap3A_363 {strides = array<i32>} : memref<1x1024x1024xf32, #tpu.memory_space<vmem>>, vector<1x32x1024xf32>,
    %get3A_364 = arith.constant 1 : index
    %get3A_365 = arith.constant 0 : index
    %get3A_366 = arith.constant 0 : index
    %get3A_367 = vector.load %arg3[%get3A_364, %get3A_365, %get3A_366] : memref<4x32x2048xf32, #tpu.memory_space<vmem>>, vector<1x32x1024xf32>
    %get3A_368 = vector.shape_cast %get3A_367 : vector<1x32x1024xf32> to vector<32x1024xf32>
    %swap3A_369 = arith.constant 0 : index
    %swap3A_370 = arith.constant 960 : index
    %swap3A_371 = arith.constant 0 : index
    %swap3A_372 = vector.load %arg2[%swap3A_369, %swap3A_370, %swap3A_371] : memref<1x1024x1024xf32, #tpu.memory_space<vmem>>, vector<1x32x1024xf32>
    %swap3A_373 = vector.shape_cast %swap3A_372 : vector<1x32x1024xf32> to vector<32x1024xf32>
    %swap3A_374 = vector.shape_cast %get3A_368 : vector<32x1024xf32> to vector<1x32x1024xf32>
    tpu.vector_store %arg2[%swap3A_369, %swap3A_370, %swap3A_371], %swap3A_374 {strides = array<i32>} : memref<1x1024x1024xf32, #tpu.memory_space<vmem>>, vector<1x32x1024xf32>,
    %get3A_375 = arith.constant 0 : index
    %get3A_376 = arith.constant 0 : index
    %get3A_377 = arith.constant 0 : index
    %get3A_378 = vector.load %arg3[%get3A_375, %get3A_376, %get3A_377] : memref<4x32x2048xf32, #tpu.memory_space<vmem>>, vector<1x32x1024xf32>
    %get3A_379 = vector.shape_cast %get3A_378 : vector<1x32x1024xf32> to vector<32x1024xf32>
    %swap3A_380 = arith.constant 0 : index
    %swap3A_381 = arith.constant 992 : index
    %swap3A_382 = arith.constant 0 : index
    %swap3A_383 = vector.load %arg2[%swap3A_380, %swap3A_381, %swap3A_382] : memref<1x1024x1024xf32, #tpu.memory_space<vmem>>, vector<1x32x1024xf32>
    %swap3A_384 = vector.shape_cast %swap3A_383 : vector<1x32x1024xf32> to vector<32x1024xf32>
    %swap3A_385 = vector.shape_cast %get3A_379 : vector<32x1024xf32> to vector<1x32x1024xf32>
    tpu.vector_store %arg2[%swap3A_380, %swap3A_381, %swap3A_382], %swap3A_385 {strides = array<i32>} : memref<1x1024x1024xf32, #tpu.memory_space<vmem>>, vector<1x32x1024xf32>,
    return
  }
  func.func @transform_0(%arg0: i32) -> (i32, i32, i32) {
    %c0_i32 = arith.constant 0 : i32
    %c0_i32_0 = arith.constant 0 : i32
    %c0_i32_1 = arith.constant 0 : i32
    return %arg0, %c0_i32, %c0_i32_0 : i32, i32, i32
  }
  func.func @transform_1(%arg0: i32) -> (i32, i32, i32) {
    %c0_i32 = arith.constant 0 : i32
    %c0_i32_0 = arith.constant 0 : i32
    %c0_i32_1 = arith.constant 0 : i32
    return %arg0, %c0_i32, %c0_i32_0 : i32, i32, i32
  }
}

</mosaic_0001>

<sc_bundles>
// kernel: kernel.4.cloned.1.call-start
scs
__scs_entry_jumppad:
0x0: {  	(pc) =	sbr.rel $0x88, $3  }
0x1: {  	(tag) =	ssettag $0x0;
	lr =	simm.s32 $0x1  }
0x2: {  	[smem:$0x3F9F] =	sst lr;
	_ =	strace $0xD0000000  }
0x3: {  	_ = 	snop  }
0x4: {  	_ = 	snop  }
0x5: {  	_ = 	snop  }
0x6: {  	_ = 	snop  }
0x7: {  	_ = 	snop  }
__scs_overlays_trampoline_lowered:
0x8: {  	[smem:$0x3FAE] =	sst s0  }
0x9: {  	[smem:$0x3FAF] =	sst s1  }
0xa: {  	[smem:$0x3FB0] =	sst s2  }
0xb: {  	[smem:$0x3FB1] =	sst s3  }
0xc: {  	[smem:$0x3FB2] =	sst s4  }
0xd: {  	[smem:$0x3FB3] =	sst s5  }
0xe: {  	[smem:$0x3FB4] =	sst s6  }
0xf: {  	[smem:$0x3FB5] =	sst s7  }
0x10: {  	[smem:$0x3FB6] =	sst s8  }
0x11: {  	[smem:$0x3FB7] =	sst s9;
	s0 =	simm.s32 @!p0 $0x0  }
0x12: {  	s1 =	sld [smem:$0x3F9D];
	s0 =	simm.s32 @p0 $0x1  }
0x13: {  	[smem:$0x3FB8] =	sst s0;
	s0 =	simm.s32 @!p1 $0x0  }
0x14: {  	s2 =	sld [smem:$0x3F9C];
	s0 =	simm.s32 @p1 $0x1  }
0x15: {  	[smem:$0x3FB9] =	sst s0;
	s0 =	simm.s32 @!p2 $0x0  }
0x16: {  	s3 =	sld [smem:$0x3FDB];
	s0 =	simm.s32 @p2 $0x1  }
0x17: {  	s4 =	simm.s32 $0x1BF5;
	[smem:$0x3FBB] =	sst s0  }
0x18: {  	s0 =	sld [smem:$0x3F9E];
	_ =	swait.ge [sflag:s4], $0x0  }
0x19: {  	s7 =	sld [smem:$0x3F9F]  }
0x1a: {  	s8 =	sadd.s32 $0xFFFFE003, lr  }
0x1b: {  	s9 =	sadd.s32 $0xFFFFFEF7, lr;
	s5 =	simm.s32 $0xFFFFFFFF;
	p2 =	slt.u32 s8, $0xFFFFF086  }
0x1c: {  	p1 =	slt.u32 s9, $0xF7A;
	s5 =	simm.s32 @!p2 $0x0  }
0x1d: {  	s5 =	simm.s32 @p1 $0x1;
	p0 =	seq.s32 s7, s2  }
0x1e: {  	s7 =	smul.u32 @!p0 $0xF7A, s2;
	p2 =	seq.s32 @!p0 s5, $0x0  }
0x1f: {  	s9 =	smul.u32 $0xF7A, s1;
	s8 =	simm.s32 @!p0 $0x1BF5;
	p2 =	por !p2, p0  }
0x20: {  	[sflag:s8] =	ssyncset.s32 @!p0 $0xFFFFF086;
	s6 =	sadd.s32 @!p0 s3, s7;
	s7 =	simm.s32 @!p0 $0x108  }
0x21: {  	s3 =	sadd.s32 s3, s9;
	s6 =	sadd.s32 @!p0 $0x88, s6;
	s7 =	simm.s32 @p2 $0x1082  }
0x22: {  	[simem:s7], [sflag:s8] =	dma.local @!p0 [hbm:s6], $0xF7A  }
0x23: {  	s9 =	sor.u32 $0xD0000000, s2;
	s6 =	simm.s32 $0x108;
	_ =	swait.ge @!p0 [sflag:s8], $0x0  }
0x24: {  	s3 =	sadd.s32 $0x88, s3;
	s6 =	simm.s32 @!p1 $0x1082;
	[sflag:s4] =	ssyncset.s32 $0xFFFFF086  }
0x25: {  	[simem:s6], [sflag:s4] =	dma.local [hbm:s3], $0xF7A  }
0x26: {  	[smem:$0x3F9F] =	sst s1;
	(tag) =	ssettag s2;
	_ =	strace s9  }
0x27: {  	s1 =	sld [smem:$0x3FAF]  }
0x28: {  	s2 =	sld [smem:$0x3FB0]  }
0x29: {  	s4 =	sld [smem:$0x3FB2]  }
0x2a: {  	p0 =	seq.s32 s5, $0x0;
	s5 =	sld [smem:$0x3FB3]  }
0x2b: {  	s6 =	sld [smem:$0x3FB4]  }
0x2c: {  	s7 =	sld [smem:$0x3FB5]  }
0x2d: {  	s3 =	simm.s32 $0x108;
	s8 =	sld [smem:$0x3FB6]  }
0x2e: {  	s3 =	simm.s32 @!p0 $0x1082;
	s9 =	sld [smem:$0x3FB7]  }
0x2f: {  	lr =	sadd.s32 s0, s3;
	s0 =	sld [smem:$0x3FAE]  }
0x30: {  	s3 =	sld [smem:$0x3FB1]  }
0x31: {  	[smem:$0x3FBA] =	sst s10  }
0x32: {  	s10 =	sld [smem:$0x3FB8];
	_ =	sdelay $0x3  }
0x33: {  	p0 =	seq.s32 s10, $0x1;
	s10 =	sld [smem:$0x3FBA];
	_ =	sdelay $0x3  }
0x34: {  	[smem:$0x3FBA] =	sst s10  }
0x35: {  	s10 =	sld [smem:$0x3FB9];
	_ =	sdelay $0x3  }
0x36: {  	p1 =	seq.s32 s10, $0x1;
	s10 =	sld [smem:$0x3FBA];
	_ =	sdelay $0x3  }
0x37: {  	[smem:$0x3FBA] =	sst s10  }
0x38: {  	s10 =	sld [smem:$0x3FBB]  }
0x39: {  	_ = 	snop;
	(pc) =	sbr.ind lr, $3  }
0x3a: {  	_ = 	snop  }
0x3b: {  	_ = 	snop  }
0x3c: {  	p2 =	seq.s32 s10, $0x1;
	s10 =	sld [smem:$0x3FBA]  }
0x3d: {  	_ =	shalt  }
0x3e: {  	_ =	shalt  }
0x3f: {  	_ =	shalt  }
0x40: {  	_ =	shalt  }
0x41: {  	_ =	shalt  }
0x42: {  	_ =	shalt  }
0x43: {  	_ =	shalt  }
0x44: {  	_ =	shalt  }
0x45: {  	_ =	shalt  }
0x46: {  	_ =	shalt  }
0x47: {  	_ =	shalt  }
0x48: {  	_ =	shalt  }
0x49: {  	_ =	shalt  }
0x4a: {  	_ =	shalt  }
0x4b: {  	_ =	shalt  }
0x4c: {  	_ =	shalt  }
0x4d: {  	_ =	shalt  }
0x4e: {  	_ =	shalt  }
0x4f: {  	_ =	shalt  }
0x50: {  	_ =	shalt  }
0x51: {  	_ =	shalt  }
0x52: {  	_ =	shalt  }
0x53: {  	_ =	shalt  }
0x54: {  	_ =	shalt  }
0x55: {  	_ =	shalt  }
0x56: {  	_ =	shalt  }
0x57: {  	_ =	shalt  }
0x58: {  	_ =	shalt  }
0x59: {  	_ =	shalt  }
0x5a: {  	_ =	shalt  }
0x5b: {  	_ =	shalt  }
0x5c: {  	_ =	shalt  }
0x5d: {  	_ =	shalt  }
0x5e: {  	_ =	shalt  }
0x5f: {  	_ =	shalt  }
0x60: {  	_ =	shalt  }
0x61: {  	_ =	shalt  }
0x62: {  	_ =	shalt  }
0x63: {  	_ =	shalt  }
0x64: {  	_ =	shalt  }
0x65: {  	_ =	shalt  }
0x66: {  	_ =	shalt  }
0x67: {  	_ =	shalt  }
0x68: {  	_ =	shalt  }
0x69: {  	_ =	shalt  }
0x6a: {  	_ =	shalt  }
0x6b: {  	_ =	shalt  }
0x6c: {  	_ =	shalt  }
0x6d: {  	_ =	shalt  }
0x6e: {  	_ =	shalt  }
0x6f: {  	_ =	shalt  }
0x70: {  	_ =	shalt  }
0x71: {  	_ =	shalt  }
0x72: {  	_ =	shalt  }
0x73: {  	_ =	shalt  }
0x74: {  	_ =	shalt  }
0x75: {  	_ =	shalt  }
0x76: {  	_ =	shalt  }
0x77: {  	_ =	shalt  }
0x78: {  	_ =	shalt  }
0x79: {  	_ =	shalt  }
0x7a: {  	_ =	shalt  }
0x7b: {  	_ =	shalt  }
0x7c: {  	_ =	shalt  }
0x7d: {  	_ =	shalt  }
0x7e: {  	_ =	shalt  }
0x7f: {  	_ =	shalt  }
0x80: {  	_ =	shalt  }
0x81: {  	_ =	shalt  }
0x82: {  	_ =	shalt  }
0x83: {  	_ =	shalt  }
0x84: {  	_ =	shalt  }
0x85: {  	_ =	shalt  }
0x86: {  	_ =	shalt  }
0x87: {  	_ =	shalt  }
.Lfunc_end0:
.L_simem_size_0:
called_computation_lowered:
.L_overlay_start_0:
0x88: {  	s2 =	sld [smem:$0x3FD9]  }
0x89: {  	s3 =	sld [smem:$0x3FFE];
	_ =	sdelay $0x1  }
0x8a: {  	s1 =	srdreg.scid  }
0x8b: {  	s0 =	sand.u32 $0x1, s1  }
0x8c: {  	s17 =	sshll.u32 s0, $0xA;
	s2 =	sadd.s32 s3, s2  }
0x8d: {  	s2 =	sadd.s32 s2, s17  }
0x8e: {  	[smem:$0x3FC6] =	sst s2  }
0x8f: {  	_ = 	snop  }
0x90: {  	s2 =	sld [smem:$0x3FD0];
	(tm) =	ssettm $0x1  }
0x91: {  	s18 =	sld [smem:$0x3FFB];
	_ =	sdelay $0x3  }
0x92: {  	_ =	strace s18  }
0x93: {  	s3 =	sld [smem:$0x3FFC];
	_ =	sdelay $0x3  }
0x94: {  	_ =	strace s3  }
0x95: {  	s3 =	sld [smem:$0x3FFD];
	_ =	sdelay $0x3  }
0x96: {  	_ =	strace s3  }
0x97: {  	_ =	strace $0x8FFFFFFF  }
0x98: {  	s19 =	sld [smem:$0x3FDB];
	_ =	sdelay $0x1  }
0x99: {  	s4 =	simm.s32 $_scs_section_size  }
0x9a: {  	s5 =	simm.s32 $_size__tile_overlayer_lowered;
	s6 =	simm.s32 $_tile_overlayer_lowered  }
0x9b: {  	s22 =	simm.s32 $0x1BFF;
	s21 =	sshll.u32 s6, $0x1;
	s3 =	sadd.s32 s4, s19  }
0x9c: {  	s7 =	simm.s32 $0x0;
	s20 =	sshll.u32 s5, $0x1;
	s5 =	sadd.s32 s21, s3  }
0x9d: {  	[timem:s7], [sflag:s22] =	dma.local [hbm:s5], s20  }
0x9e: {  	_ =	swait.ge [sflag:s22], s20  }
0x9f: {  	s4 =	ssub.s32 $0x0, s20;
	[sflag:s22] =	ssyncset.done $0x0  }
0xa0: {  	[sflag:s22] =	ssyncadd.s32 s4;
	_ =	sdelay $0x1  }
0xa1: {  	s23 =	simm.s32 $0x1B8B  }
0xa2: {  	_ =	swait.ge [sflag:s23], $0x1  }
0xa3: {  	[sflag:s23] =	ssyncset.done $0x0  }
0xa4: {  	s25 =	simm.s32 $0x1B8E;
	s24 =	sld [smem:$0x3FFE];
	[sflag:s23] =	ssyncadd.s32 $0xFFFFFFFF  }
0xa5: {  	s26 =	simm.s32 $execute0_lowered;
	[smem:$0x3FD2] =	sst s25  }
0xa6: {  	s5 =	sshll.u32 s26, $0x1;
	_ =	strace $0x80000046;
	[dreg:$0x1] =	wrdreg $0xFFFFFFFF  }
0xa7: {  	s28 =	simm.s32 $_size_execute0_lowered;
	s3 =	sadd.s32 s3, s5;
	[dreg:$0x0] =	wrdreg $0x0  }
0xa8: {  	s5 =	sshll.u32 s28, $0x1;
	[dreg:$0x2] =	wrdreg s3  }
0xa9: {  	[dreg:$0x3] =	wrdreg s5  }
0xaa: {  	[dreg:$0x4] =	wrdreg $0xC0  }
0xab: {  	_ =	task [dreg:s7], $0x5FFFF  }
0xac: {  	[dreg:$0x1] =	wrdreg $0xFFFFFFFF  }
0xad: {  	[dreg:$0x0] =	wrdreg $0x60  }
0xae: {  	[dreg:$0x2] =	wrdreg s24  }
0xaf: {  	[dreg:$0x3] =	wrdreg s2  }
0xb0: {  	[dreg:$0x4] =	wrdreg $0x9  }
0xb1: {  	_ =	task.clear_ibuf [dreg:s7], $0x5FFFF;
	_ =	strace $0x90000046  }
0xb2: {  	s29 =	simm.s32 $0x9;
	_ =	strace $0x80000048  }
0xb3: {  	_ =	swait.ge [sflag:s29], $0x1  }
0xb4: {  	[sflag:s29] =	ssyncadd.s32 $0xFFFFFFFF  }
0xb5: {  	_ =	strace $0x90000048  }
0xb6: {  	_ =	sfence  }
0xb7: {  	s30 =	sld [smem:$0x0];
	_ =	sdelay $0x2  }
0xb8: {  	s31 =	sshll.u32 s1, $0xD;
	s1 =	sshrl.u32 s1, $0x2  }
0xb9: {  	s3 =	sand.u32 $0x4000, s31;
	s1 =	sadd.s32 s1, s30  }
0xba: {  	s0 =	sor.u32 s3, s0;
	s1 =	sshll.u32 s1, $0x11  }
0xbb: {  	s0 =	sor.u32 s1, s0  }
0xbc: {  	s0 =	sadd.s32 $0x8F2B, s0  }
0xbd: {  	[sflag:s0] =	ssyncadd.remote.s32 $0x1  }
0xbe: {  	_ =	sfence.sel $0xFFFF  }
0xbf: {  	[dreg:$0x0] =	wrdreg $0xFFFFFFFF;
	(pc) =	sbr.abs _section_cstart, $3  }
0xc0: {  	[dreg:$0x1] =	wrdreg $0xFFFFFFFF  }
0xc1: {  	_ =	task.clear_ibuf [dreg:s7], $0x2FFFF;
	_ =	strace $0x9FFFFFFF  }
0xc2: {  	(tm) =	ssettm $0x7FFFFFFF  }
0xc3: {  	_ =	shalt  }
tec
execute0_lowered:
.L_overlay_start_1:
0x0: {  	(tag) =	ssettag $0x1  }
0x1: {  	s3 =	rddreg [dreg:$0x0]  }
0x2: {  	s19 =	rddreg [dreg:$0x1]  }
0x3: {  	s1 =	srdreg.scid;
	s2 =	simm.s32 $0x0;
	s0 =	stileid.u32  }
0x4: {  	s7 =	simm.s32 $0x1;
	s5 =	sand.u32 $0x1, s1;
	[smem:$0x7FF] =	sst s2  }
0x5: {  	s4 =	sor.u32 s5, s0;
	s6 =	sshll.u32 s5, $0xA;
	p1 =	seq.s32 s5, $0x1  }
0x6: {  	_ =	strace $0x80000047;
	s24 =	ssub.s32 $0x2, s5;
	s20 =	sshll.u32 s5, $0xB  }
0x7: {  	s10 =	sshll.u32 s5, $0xD;
	p0 =	seq.s32 s4, $0x0;
	s6 =	sadd.s32 s6, s3  }
0x8: {  	s8 =	sshrl.u32 s24, $0x1;
	s9 =	sadd.s32 s20, s3;
	s3 =	simm.s32 $0x1  }
0x9: {  	s4 =	sshll.u32 s5, $0x9;
	s31 =	sshrl.u32 s20, $0x2;
	p0 =	por !p0, !p1  }
0xa: {  	s21 =	ssub.s32 s24, s8;
	s5 =	sadd.s32 $0x400, s6;
	p0 =	por !p0, !p0  }
0xb: {  	s6 =	sadd.s32 $0xC00, s9;
	s8 =	sxor.u32 $0x6380, s4;
	s7 =	simm.s32 @!p0 $0x0  }
0xc: {  	s20 =	smax.u32 s21, $0x1;
	s21 =	sor.u32 $0x6460, s31;
	s7 =	ssub.s32 s0, s7  }
0xd: {  	s25 =	sshll.u32 s7, $0x10;
	s23 =	ssub.s32 s7, s10;
	s10 =	sadd.s32 $0x63E0, s4  }
0xe: {  	s16 =	ssub.s32 s25, s4;
	s17 =	sor.u32 s25, s4;
	v0 =	vmov s23;
	s23 =	sor.u32 $0x6560, s31  }
0xf: {  	s25 =	simm.s32 $0x0;
	s26 =	sadd.s32 $0x380, s16;
	s29 =	sadd.s32 $0x3E0, s17  }
0x10: {  	s11 =	sadd.s32 $0x300, s16;
	s12 =	sor.u32 $0x460, s17;
	s13 =	sadd.s32 $0x280, s16  }
0x11: {  	s18 =	sor.u32 $0x4E0, s17;
	s16 =	sadd.s32 $0x200, s16;
	s24 =	sor.u32 $0x560, s17  }
0x12: {  	s28 =	sshrl.u32 s26, $0x3;
	s9 =	sshrl.u32 s29, $0x3;
	s11 =	sshrl.u32 s11, $0x3  }
0x13: {  	s14 =	sshrl.u32 s12, $0x3;
	s15 =	sshrl.u32 s13, $0x3;
	s12 =	sxor.u32 $0x6300, s4  }
0x14: {  	s18 =	sshrl.u32 s18, $0x3;
	s22 =	sshrl.u32 s16, $0x3;
	s30 =	sshrl.u32 s24, $0x3  }
0x15: {  	s24 =	simm.s32 $0x2000;
	s7 =	sadd.s32 s19, s28;
	s9 =	sadd.s32 s19, s9  }
0x16: {  	s11 =	sadd.s32 s19, s11;
	s13 =	sadd.s32 s19, s14;
	s14 =	sadd.s32 s19, s15  }
0x17: {  	s15 =	sxor.u32 $0x6280, s4;
	s16 =	sadd.s32 s19, s18;
	s17 =	sadd.s32 s19, s22  }
0x18: {  	s18 =	sxor.u32 $0x6200, s4;
	s19 =	sadd.s32 s19, s30;
	s22 =	sor.u32 $0x64E0, s31  }
.LBB2_1:
0x19: {  	[tilespmem:s2], [sflag:$0x1] =	stream.linear.gather [hbm4b:s5+s2], $0x2000, $0x38;
	[tilespmem:$0x16000] =	vst v63  }
0x1a: {  	_ = 	snop  }
0x1b: {  	[tilespmem:s24], [sflag:$0x1] =	stream.linear.gather [hbm4b:s6+s2], $0x4000, $0x38;
	[tilespmem:$0x16000] =	vst v63  }
0x1c: {  	_ =	swait.ge [sflag:s3], $0x2000  }
0x1d: {  	[sflag:s3] =	ssyncset.done $0x0  }
0x1e: {  	[sflag:s3] =	ssyncadd.s32 $0xFFFFE000  }
0x1f: {  	_ =	swait.ge [sflag:s3], $0x4000  }
0x20: {  	s26 =	simm.s32 $0x2010;
	[sflag:s3] =	ssyncset.done $0x0  }
0x21: {  	s28 =	simm.s32 $0x0;
	s29 =	simm.s32 $0x0;
	[sflag:s3] =	ssyncadd.s32 $0xFFFFC000  }
.LBB2_2:
0x22: {  	v1 =	vld [tilespmem:s26+$0xFFFFFFF0];
	_ =	sdelay $0x4  }
0x23: {  	v1 =	vshll.u32 v1, $0x4  }
0x24: {  	v1 =	vadd.s32 v0, v1;
	_ =	sdelay $0x4  }
0x25: {  	v1 =	vld.idx.msk [tilespmem:v1+s2+$0x0], $0xffff;
	_ =	sdelay $0x1  }
0x26: {  	s30 =	sand.u32 $0x60, s29;
	s31 =	sand.u32 $0xF800, s28  }
0x27: {  	s30 =	sor.u32 s4, s30;
	s0 =	sadd.s32 $0x6000, s31  }
0x28: {  	s1 =	ssub.s32 s0, s30  }
0x29: {  	s0 =	sor.u32 s30, s0;
	[tilespmem:s1+$0x3E0] =	vst v1  }
0x2a: {  	[tilespmem:s0+$0x3E0] =	vst v1  }
0x2b: {  	v1 =	vld [tilespmem:s26+$0x0];
	_ =	sdelay $0x4  }
0x2c: {  	v1 =	vshll.u32 v1, $0x4  }
0x2d: {  	v1 =	vadd.s32 v0, v1;
	_ =	sdelay $0x4  }
0x2e: {  	v1 =	vld.idx.msk [tilespmem:v1+s2+$0x0], $0xffff  }
0x2f: {  	p0 =	sne.s32 s29, $0x7F  }
.Ltmp0:
0x30: {  	_ = 	snop;
	(pc) =	sbr.rel @p0 .LBB2_2-.Ltmp0, $4  }
0x31: {  	_ = 	snop  }
0x32: {  	s31 =	ssub.s32 s31, s30  }
0x33: {  	[tilespmem:s31+$0x63F0] =	vst v1  }
0x34: {  	s28 =	sadd.s32 $0x800, s28;
	s29 =	sadd.s32 $0x1, s29;
	s26 =	sadd.s32 $0x20, s26;
	[tilespmem:s0+$0x3F0] =	vst v1  }
0x35: {  	s26 =	simm.s32 $0x100  }
0x36: {  	s30 =	sadd.s32 $0x0, s7;
	s28 =	sadd.s32 $0x800, s8;
	s29 =	smov.u32 s8  }
.LBB2_4:
0x37: {  	[hbm4b:s30+s2] =	stream.linear.scatter [tilespmem:s29], [sflag:$0x1], $0x80, $0x38;
	[tilespmem:$0x16000] =	vst v63  }
0x38: {  	s0 =	smov.u32 s26;
	s29 =	smov.u32 s28;
	p0 =	sne.s32 s26, $0x1F00  }
.Ltmp1:
0x39: {  	s26 =	sadd.s32 $0x100, s26;
	(pc) =	sbr.rel @p0 .LBB2_4-.Ltmp1, $2  }
0x3a: {  	_ =	sdelay $0x2  }
0x3b: {  	s28 =	sadd.s32 $0x800, s28;
	s30 =	sadd.s32 s0, s7  }
0x3c: {  	[hbm4b:s30+s2] =	stream.linear.scatter [tilespmem:s29], [sflag:$0x1], $0x80, $0x38;
	[tilespmem:$0x16000] =	vst v63  }
0x3d: {  	s26 =	simm.s32 $0x0;
	s28 =	smov.u32 s10  }
.LBB2_6:
0x3e: {  	p0 =	sne.s32 s26, $0x1F00  }
.Ltmp2:
0x3f: {  	_ = 	snop;
	(pc) =	sbr.rel @p0 .LBB2_6-.Ltmp2, $4  }
0x40: {  	_ = 	snop  }
0x41: {  	s0 =	sadd.s32 s26, s9  }
0x42: {  	[hbm4b:s0+s2] =	stream.linear.scatter [tilespmem:s28], [sflag:$0x1], $0x80, $0x38;
	[tilespmem:$0x16000] =	vst v63  }
0x43: {  	s26 =	sadd.s32 $0x100, s26;
	s28 =	sadd.s32 $0x800, s28  }
0x44: {  	s26 =	simm.s32 $0x80;
	s28 =	simm.s32 $0x40000;
	s29 =	simm.s32 $0x3010  }
.LBB2_8:
0x45: {  	v1 =	vld [tilespmem:s29+$0xFFFFFFF0];
	_ =	sdelay $0x4  }
0x46: {  	v1 =	vshll.u32 v1, $0x4  }
0x47: {  	v1 =	vadd.s32 v0, v1;
	_ =	sdelay $0x4  }
0x48: {  	v1 =	vld.idx.msk [tilespmem:v1+s2+$0x0], $0xffff;
	_ =	sdelay $0x1  }
0x49: {  	s0 =	sand.u32 $0xE0, s26;
	s1 =	sand.u32 $0xF800, s28  }
0x4a: {  	s0 =	sor.u32 s4, s0;
	s30 =	sadd.s32 $0x6000, s1  }
0x4b: {  	s31 =	ssub.s32 s30, s0  }
0x4c: {  	s30 =	sor.u32 s0, s30;
	[tilespmem:s31+$0x3E0] =	vst v1  }
0x4d: {  	[tilespmem:s30+$0x3E0] =	vst v1  }
0x4e: {  	v1 =	vld [tilespmem:s29+$0x0];
	_ =	sdelay $0x4  }
0x4f: {  	v1 =	vshll.u32 v1, $0x4  }
0x50: {  	v1 =	vadd.s32 v0, v1;
	_ =	sdelay $0x4  }
0x51: {  	v1 =	vld.idx.msk [tilespmem:v1+s2+$0x0], $0xffff  }
0x52: {  	p0 =	sne.s32 s26, $0xFF  }
.Ltmp3:
0x53: {  	_ = 	snop;
	(pc) =	sbr.rel @p0 .LBB2_8-.Ltmp3, $4  }
0x54: {  	_ = 	snop  }
0x55: {  	s0 =	ssub.s32 s1, s0  }
0x56: {  	[tilespmem:s0+$0x63F0] =	vst v1  }
0x57: {  	s28 =	sadd.s32 $0x800, s28;
	s26 =	sadd.s32 $0x1, s26;
	s29 =	sadd.s32 $0x20, s29;
	[tilespmem:s30+$0x3F0] =	vst v1  }
0x58: {  	s26 =	simm.s32 $0x100  }
0x59: {  	s30 =	sadd.s32 $0x0, s11;
	s28 =	sadd.s32 $0x800, s12;
	s29 =	smov.u32 s12  }
.LBB2_10:
0x5a: {  	[hbm4b:s30+s2] =	stream.linear.scatter [tilespmem:s29], [sflag:$0x1], $0x80, $0x38;
	[tilespmem:$0x16000] =	vst v63  }
0x5b: {  	s0 =	smov.u32 s26;
	s29 =	smov.u32 s28;
	p0 =	sne.s32 s26, $0x1F00  }
.Ltmp4:
0x5c: {  	s26 =	sadd.s32 $0x100, s26;
	(pc) =	sbr.rel @p0 .LBB2_10-.Ltmp4, $2  }
0x5d: {  	_ =	sdelay $0x2  }
0x5e: {  	s28 =	sadd.s32 $0x800, s28;
	s30 =	sadd.s32 s0, s11  }
0x5f: {  	[hbm4b:s30+s2] =	stream.linear.scatter [tilespmem:s29], [sflag:$0x1], $0x80, $0x38;
	[tilespmem:$0x16000] =	vst v63  }
0x60: {  	s26 =	simm.s32 $0x0;
	s28 =	smov.u32 s21  }
.LBB2_12:
0x61: {  	p0 =	sne.s32 s26, $0x1F00  }
.Ltmp5:
0x62: {  	_ = 	snop;
	(pc) =	sbr.rel @p0 .LBB2_12-.Ltmp5, $4  }
0x63: {  	_ = 	snop  }
0x64: {  	s0 =	sadd.s32 s26, s13  }
0x65: {  	[hbm4b:s0+s2] =	stream.linear.scatter [tilespmem:s28], [sflag:$0x1], $0x80, $0x38;
	[tilespmem:$0x16000] =	vst v63  }
0x66: {  	s26 =	sadd.s32 $0x100, s26;
	s28 =	sadd.s32 $0x800, s28  }
0x67: {  	s26 =	simm.s32 $0x100;
	s28 =	simm.s32 $0x80000;
	s29 =	simm.s32 $0x4010  }
.LBB2_14:
0x68: {  	v1 =	vld [tilespmem:s29+$0xFFFFFFF0];
	_ =	sdelay $0x4  }
0x69: {  	v1 =	vshll.u32 v1, $0x4  }
0x6a: {  	v1 =	vadd.s32 v0, v1;
	_ =	sdelay $0x4  }
0x6b: {  	v1 =	vld.idx.msk [tilespmem:v1+s2+$0x0], $0xffff;
	_ =	sdelay $0x1  }
0x6c: {  	s0 =	sand.u32 $0x1E0, s26;
	s1 =	sand.u32 $0xF800, s28  }
0x6d: {  	s0 =	sor.u32 s4, s0;
	s30 =	sadd.s32 $0x6000, s1  }
0x6e: {  	s31 =	ssub.s32 s30, s0  }
0x6f: {  	s30 =	sor.u32 s0, s30;
	[tilespmem:s31+$0x3E0] =	vst v1  }
0x70: {  	[tilespmem:s30+$0x3E0] =	vst v1  }
0x71: {  	v1 =	vld [tilespmem:s29+$0x0];
	_ =	sdelay $0x4  }
0x72: {  	v1 =	vshll.u32 v1, $0x4  }
0x73: {  	v1 =	vadd.s32 v0, v1;
	_ =	sdelay $0x4  }
0x74: {  	v1 =	vld.idx.msk [tilespmem:v1+s2+$0x0], $0xffff  }
0x75: {  	p0 =	sne.s32 s26, $0x17F  }
.Ltmp6:
0x76: {  	_ = 	snop;
	(pc) =	sbr.rel @p0 .LBB2_14-.Ltmp6, $4  }
0x77: {  	_ = 	snop  }
0x78: {  	s0 =	ssub.s32 s1, s0  }
0x79: {  	[tilespmem:s0+$0x63F0] =	vst v1  }
0x7a: {  	s28 =	sadd.s32 $0x800, s28;
	s26 =	sadd.s32 $0x1, s26;
	s29 =	sadd.s32 $0x20, s29;
	[tilespmem:s30+$0x3F0] =	vst v1  }
0x7b: {  	s26 =	simm.s32 $0x100  }
0x7c: {  	s30 =	sadd.s32 $0x0, s14;
	s28 =	sadd.s32 $0x800, s15;
	s29 =	smov.u32 s15  }
.LBB2_16:
0x7d: {  	[hbm4b:s30+s2] =	stream.linear.scatter [tilespmem:s29], [sflag:$0x1], $0x80, $0x38;
	[tilespmem:$0x16000] =	vst v63  }
0x7e: {  	s0 =	smov.u32 s26;
	s29 =	smov.u32 s28;
	p0 =	sne.s32 s26, $0x1F00  }
.Ltmp7:
0x7f: {  	s26 =	sadd.s32 $0x100, s26;
	(pc) =	sbr.rel @p0 .LBB2_16-.Ltmp7, $2  }
0x80: {  	_ =	sdelay $0x2  }
0x81: {  	s28 =	sadd.s32 $0x800, s28;
	s30 =	sadd.s32 s0, s14  }
0x82: {  	[hbm4b:s30+s2] =	stream.linear.scatter [tilespmem:s29], [sflag:$0x1], $0x80, $0x38;
	[tilespmem:$0x16000] =	vst v63  }
0x83: {  	s26 =	simm.s32 $0x0;
	s28 =	smov.u32 s22  }
.LBB2_18:
0x84: {  	p0 =	sne.s32 s26, $0x1F00  }
.Ltmp8:
0x85: {  	_ = 	snop;
	(pc) =	sbr.rel @p0 .LBB2_18-.Ltmp8, $4  }
0x86: {  	_ = 	snop  }
0x87: {  	s0 =	sadd.s32 s26, s16  }
0x88: {  	[hbm4b:s0+s2] =	stream.linear.scatter [tilespmem:s28], [sflag:$0x1], $0x80, $0x38;
	[tilespmem:$0x16000] =	vst v63  }
0x89: {  	s26 =	sadd.s32 $0x100, s26;
	s28 =	sadd.s32 $0x800, s28  }
0x8a: {  	s26 =	simm.s32 $0x180;
	s28 =	simm.s32 $0xC0000;
	s29 =	simm.s32 $0x5010  }
.LBB2_20:
0x8b: {  	v1 =	vld [tilespmem:s29+$0xFFFFFFF0];
	_ =	sdelay $0x4  }
0x8c: {  	v1 =	vshll.u32 v1, $0x4  }
0x8d: {  	v1 =	vadd.s32 v0, v1;
	_ =	sdelay $0x4  }
0x8e: {  	v1 =	vld.idx.msk [tilespmem:v1+s2+$0x0], $0xffff;
	_ =	sdelay $0x1  }
0x8f: {  	s0 =	sand.u32 $0x1E0, s26;
	s1 =	sand.u32 $0xF800, s28  }
0x90: {  	s0 =	sor.u32 s4, s0;
	s30 =	sadd.s32 $0x6000, s1  }
0x91: {  	s31 =	ssub.s32 s30, s0  }
0x92: {  	s30 =	sor.u32 s0, s30;
	[tilespmem:s31+$0x3E0] =	vst v1  }
0x93: {  	[tilespmem:s30+$0x3E0] =	vst v1  }
0x94: {  	v1 =	vld [tilespmem:s29+$0x0];
	_ =	sdelay $0x4  }
0x95: {  	v1 =	vshll.u32 v1, $0x4  }
0x96: {  	v1 =	vadd.s32 v0, v1;
	_ =	sdelay $0x4  }
0x97: {  	v1 =	vld.idx.msk [tilespmem:v1+s2+$0x0], $0xffff  }
0x98: {  	p0 =	sne.s32 s26, $0x1FF  }
.Ltmp9:
0x99: {  	_ = 	snop;
	(pc) =	sbr.rel @p0 .LBB2_20-.Ltmp9, $4  }
0x9a: {  	_ = 	snop  }
0x9b: {  	s0 =	ssub.s32 s1, s0  }
0x9c: {  	[tilespmem:s0+$0x63F0] =	vst v1  }
0x9d: {  	s28 =	sadd.s32 $0x800, s28;
	s26 =	sadd.s32 $0x1, s26;
	s29 =	sadd.s32 $0x20, s29;
	[tilespmem:s30+$0x3F0] =	vst v1  }
0x9e: {  	s26 =	simm.s32 $0x100  }
0x9f: {  	s30 =	sadd.s32 $0x0, s17;
	s28 =	sadd.s32 $0x800, s18;
	s29 =	smov.u32 s18  }
.LBB2_22:
0xa0: {  	[hbm4b:s30+s2] =	stream.linear.scatter [tilespmem:s29], [sflag:$0x1], $0x80, $0x38;
	[tilespmem:$0x16000] =	vst v63  }
0xa1: {  	s0 =	smov.u32 s26;
	s29 =	smov.u32 s28;
	p0 =	sne.s32 s26, $0x1F00  }
.Ltmp10:
0xa2: {  	s26 =	sadd.s32 $0x100, s26;
	(pc) =	sbr.rel @p0 .LBB2_22-.Ltmp10, $2  }
0xa3: {  	_ =	sdelay $0x2  }
0xa4: {  	s28 =	sadd.s32 $0x800, s28;
	s30 =	sadd.s32 s0, s17  }
0xa5: {  	[hbm4b:s30+s2] =	stream.linear.scatter [tilespmem:s29], [sflag:$0x1], $0x80, $0x38;
	[tilespmem:$0x16000] =	vst v63  }
0xa6: {  	s26 =	simm.s32 $0x100  }
0xa7: {  	s30 =	sadd.s32 $0x0, s19;
	s28 =	sadd.s32 $0x800, s23;
	s29 =	smov.u32 s23  }
.LBB2_24:
0xa8: {  	[hbm4b:s30+s2] =	stream.linear.scatter [tilespmem:s29], [sflag:$0x1], $0x80, $0x38;
	[tilespmem:$0x16000] =	vst v63  }
0xa9: {  	s0 =	smov.u32 s26;
	s29 =	smov.u32 s28;
	p0 =	sne.s32 s26, $0x1F00  }
.Ltmp11:
0xaa: {  	s26 =	sadd.s32 $0x100, s26;
	(pc) =	sbr.rel @p0 .LBB2_24-.Ltmp11, $2  }
0xab: {  	_ =	sdelay $0x2  }
0xac: {  	s28 =	sadd.s32 $0x800, s28;
	s30 =	sadd.s32 s0, s19  }
0xad: {  	[hbm4b:s30+s2] =	stream.linear.scatter [tilespmem:s29], [sflag:$0x1], $0x80, $0x38;
	[tilespmem:$0x16000] =	vst v63  }
0xae: {  	_ =	swait.ge [sflag:s3], $0x1000  }
0xaf: {  	[sflag:s3] =	ssyncset.done $0x0  }
0xb0: {  	[sflag:s3] =	ssyncadd.s32 $0xFFFFF000  }
0xb1: {  	_ =	swait.ge [sflag:s3], $0x1000  }
0xb2: {  	[sflag:s3] =	ssyncset.done $0x0  }
0xb3: {  	[sflag:s3] =	ssyncadd.s32 $0xFFFFF000  }
0xb4: {  	_ =	swait.ge [sflag:s3], $0x1000  }
0xb5: {  	[sflag:s3] =	ssyncset.done $0x0  }
0xb6: {  	[sflag:s3] =	ssyncadd.s32 $0xFFFFF000  }
0xb7: {  	_ =	swait.ge [sflag:s3], $0x1000  }
0xb8: {  	[sflag:s3] =	ssyncset.done $0x0  }
0xb9: {  	[sflag:s3] =	ssyncadd.s32 $0xFFFFF000  }
0xba: {  	_ =	swait.ge [sflag:s3], $0x1000  }
0xbb: {  	[sflag:s3] =	ssyncset.done $0x0  }
0xbc: {  	[sflag:s3] =	ssyncadd.s32 $0xFFFFF000  }
0xbd: {  	_ =	swait.ge [sflag:s3], $0x1000  }
0xbe: {  	[sflag:s3] =	ssyncset.done $0x0  }
0xbf: {  	s25 =	sadd.s32 $0x1, s25;
	[sflag:s3] =	ssyncadd.s32 $0xFFFFF000  }
0xc0: {  	p0 =	sne.s32 s25, s20;
	_ =	swait.ge [sflag:s3], $0x1000  }
.Ltmp12:
0xc1: {  	[sflag:s3] =	ssyncset.done $0x0;
	(pc) =	sbr.rel @p0 .LBB2_1-.Ltmp12, $4  }
0xc2: {  	[sflag:s3] =	ssyncadd.s32 $0xFFFFF000  }
0xc3: {  	_ =	swait.ge [sflag:s3], $0x1000  }
0xc4: {  	[sflag:s3] =	ssyncset.done $0x0  }
0xc5: {  	[sflag:s3] =	ssyncadd.s32 $0xFFFFF000  }
0xc6: {  	_ =	sfence.sel $0x180000  }
0xc7: {  	[bflag:$0x0] =	sbarrier.arrive $0xFFFF  }
0xc8: {  	_ =	strace $0x90000047  }
0xc9: {  	s0 =	stileid.u32;
	[bflag:$0x2] =	sbarrier.arrive $0xFFFF  }
0xca: {  	p0 =	sne.s32 s0, $0x0;
	s0 =	rddreg [dreg:$0x2]  }
0xcb: {  	s0 =	sadd.s32 @!p0 $0x100000, s0  }
0xcc: {  	[sflag:s0] =	ssyncadd.tile.s32 @!p0 $0x1;
	_ =	shalt  }
.Lfunc_end2:
_tile_overlayer_lowered:
.L_overlay_start_2:
0xcd: {  	(tag) =	ssettag $0x2  }
0xce: {  	s0 =	rddreg [dreg:$0x0];
	s2 =	stileid.u32  }
0xcf: {  	s1 =	rddreg [dreg:$0x1];
	p0 =	sne.s32 s2, $0x0  }
0xd0: {  	s3 =	rddreg [dreg:$0x2];
	[bflag:$0x3] =	sbarrier.arrive $0xFFFF;
	s2 =	simm.s32 @!p0 $0x1C02  }
0xd1: {  	[timem:s3], [sflag:s2] =	dma.local @!p0 [hbm:s0], s1  }
0xd2: {  	s0 =	simm.s32 @!p0 $0x2  }
0xd3: {  	_ =	swait.ge @!p0 [sflag:s0], s1  }
0xd4: {  	s1 =	ssub.s32 @!p0 $0x0, s1;
	[sflag:s0] =	ssyncset.done @!p0 $0x0  }
0xd5: {  	[sflag:s0] =	ssyncadd.s32 @!p0 s1  }
0xd6: {  	[bflag:$0x3] =	sbarrier.arrive $0xFFFF  }
0xd7: {  	_ =	shalt  }

</sc_bundles>
